<compile_context>
chip_gen: v7x
topology: tpu7x:2x2x1
jax: 0.10.2.dev20260603
libtpu: 0.0.44.dev20260713+nightly
codegen_flags: <defaults>
</compile_context>

<pallas_src>
import functools

import jax
import jax.numpy as jnp
from jax import lax
from jax.experimental import pallas as pl
from jax.experimental.pallas import tpu as pltpu
from jax.experimental.pallas import tpu_sc as plsc

BATCH = 1024
HIST = 200
D = 128
B = BATCH * HIST
NC = 2
NS = 16
NW = NC * NS
BPW = B // NW
CH = 128
NCH = BPW // CH
NBUF = 5
NGRP = NCH // NBUF

_mesh = plsc.VectorSubcoreMesh(core_axis_name="c", subcore_axis_name="s")


@functools.partial(
    pl.kernel,
    out_type=[
        jax.ShapeDtypeStruct((B, D), jnp.float32),
        jax.ShapeDtypeStruct((B, D), jnp.float32),
    ],
    mesh=_mesh,
    scratch_types=[
        pltpu.VMEM((2, NCH, CH), jnp.int32),
        pltpu.VMEM((NBUF, CH, D), jnp.float32),
        pltpu.SemaphoreType.DMA,
        pltpu.SemaphoreType.DMA,
    ],
)
def _emb_gather(eid_hbm, wid_hbm, etab_hbm, wtab_hbm, eout_hbm, wout_hbm,
                idx_v, bufs, gsem, ssem):
    wid = lax.axis_index("s") * NC + lax.axis_index("c")
    base = wid * BPW

    pltpu.async_copy(eid_hbm.at[wid], idx_v.at[0], gsem)
    pltpu.async_copy(wid_hbm.at[wid], idx_v.at[1], gsem)
    pltpu.make_async_copy(eid_hbm.at[wid], idx_v.at[0], gsem).wait()
    pltpu.make_async_copy(wid_hbm.at[wid], idx_v.at[1], gsem).wait()

    for b in range(NBUF):
        pltpu.async_copy(etab_hbm.at[idx_v.at[0].at[b]], bufs.at[b], gsem)

    for t, (tab, out, ntab) in enumerate(((etab_hbm, eout_hbm, wtab_hbm),
                                          (wtab_hbm, wout_hbm, None))):
        @pl.loop(0, NGRP)
        def _grp(g, t=t, tab=tab, out=out, ntab=ntab):
            for b in range(NBUF):
                c = g * NBUF + b
                pltpu.make_async_copy(
                    tab.at[idx_v.at[t].at[b]], bufs.at[b], gsem).wait()
                pltpu.async_copy(
                    bufs.at[b], out.at[pl.ds(base + c * CH, CH)], ssem)
            for b in range(NBUF):
                pltpu.make_async_copy(
                    bufs.at[b], out.at[pl.ds(base, CH)], ssem).wait()

                @pl.when(g + 1 < NGRP)
                def _(b=b):
                    c = (g + 1) * NBUF + b
                    pltpu.async_copy(tab.at[idx_v.at[t].at[c]],
                                     bufs.at[b], gsem)

                if ntab is not None:
                    @pl.when(g + 1 == NGRP)
                    def _(b=b):
                        pltpu.async_copy(ntab.at[idx_v.at[t + 1].at[b]],
                                         bufs.at[b], gsem)


def kernel(event_ids, word_ids, event_table, word_table):
    eid = event_ids.astype(jnp.int32).reshape(NW, NCH, CH)
    wid = word_ids.astype(jnp.int32).reshape(NW, NCH, CH)
    eout, wout = _emb_gather(eid, wid, event_table, word_table)
    return (eout.reshape(BATCH, HIST, D), wout.reshape(BATCH, HIST, D))

# --- scband reference (transcript-rebuilt; emitter-appended) ---
"""Pipeline reference for scband-arg-compatible-model-32701880991774 (READ-ONLY COPY).

The authoritative reference and input builder live on the scoring server;
editing this copy changes nothing except your own understanding.
"""

import jax, jax.numpy as jnp
import numpy as np

EVENT_VOCAB = 100000
EVENT_DIM = 128
WORD_VOCAB = 100000
WORD_DIM = 128
BATCH = 1024
HIST = 200


def setup_inputs(seed: int = 0) -> dict:
    key = jax.random.key(seed)
    k1, k2, k3, k4 = jax.random.split(key, 4)
    event_ids = jax.random.randint(k1, (BATCH, HIST), 0, EVENT_VOCAB, dtype=jnp.int64 if jax.config.jax_enable_x64 else jnp.int32)
    word_ids = jax.random.randint(k2, (BATCH, HIST), 0, WORD_VOCAB, dtype=jnp.int64 if jax.config.jax_enable_x64 else jnp.int32)
    event_table = jax.random.normal(k3, (EVENT_VOCAB, EVENT_DIM), dtype=jnp.float32)
    word_table = jax.random.normal(k4, (WORD_VOCAB, WORD_DIM), dtype=jnp.float32)
    # padding_idx=0: row 0 is zeroed in nn.Embedding with padding_idx
    event_table = event_table.at[0].set(0.0)
    word_table = word_table.at[0].set(0.0)
    return {"event_ids": event_ids, "word_ids": word_ids, "event_table": event_table, "word_table": word_table}


def reference(event_ids, word_ids, event_table, word_table):
    # Faithful translation: two embedding lookups with padding_idx=0 semantics.
    # Gather maps to SparseCore-friendly jnp.take.
    event_emb = jnp.take(event_table, event_ids, axis=0)
    word_emb = jnp.take(word_table, word_ids, axis=0)
    # padding_idx=0 -> output rows for id 0 are zero (already zero in table,
    # mask kept for exact semantics even if table were overwritten).
    event_mask = (event_ids != 0)[..., None].astype(event_emb.dtype)
    word_mask = (word_ids != 0)[..., None].astype(word_emb.dtype)
    return (event_emb * event_mask, word_emb * word_mask)

if __name__ == "__main__":
    import jax
    _d = setup_inputs()
    print(jax.jit(kernel)(*tuple(_d.values())))

</pallas_src>

<mosaic_0001>
#map = affine_map<(d0, d1) -> (0, 0, 0)>
#map1 = affine_map<(d0, d1) -> (0, 0)>
module attributes {stable_mosaic.version = 14 : i64} {
  func.func @_emb_gather(%arg0: i32, %arg1: i32, %arg2: memref<32x50x128xi32, #tpu.memory_space<hbm>>, %arg3: memref<32x50x128xi32, #tpu.memory_space<hbm>>, %arg4: memref<100000x128xf32, #tpu.memory_space<hbm>>, %arg5: memref<100000x128xf32, #tpu.memory_space<hbm>>, %arg6: memref<204800x128xf32, #tpu.memory_space<hbm>>, %arg7: memref<204800x128xf32, #tpu.memory_space<hbm>>, %arg8: memref<2x50x128xi32, #tpu.memory_space<vmem>>, %arg9: memref<5x128x128xf32, #tpu.memory_space<vmem>>, %arg10: memref<!tpu.dma_semaphore, #tpu.memory_space<semaphore_mem>>, %arg11: memref<!tpu.dma_semaphore, #tpu.memory_space<semaphore_mem>>) attributes {dimension_semantics = [#tpu.dimension_semantics<core_parallel>, #tpu.dimension_semantics<subcore_parallel>], iteration_bounds = array<i64: 2, 16>, scalar_prefetch = 0 : i64, scratch_operands = 4 : i64, tpu.core_type = #tpu.core_type<sc_vector_subcore>, window_params = [{transform_indices = #map}, {transform_indices = #map}, {transform_indices = #map1}, {transform_indices = #map1}, {transform_indices = #map1}, {transform_indices = #map1}]} {
    %mul3A = arith.constant 2 : i32
    %mul3A_0 = arith.muli %arg1, %mul3A : i32
    %add3A = arith.addi %mul3A_0, %arg0 : i32
    %mul3A_1 = arith.constant 6400 : i32
    %mul3A_2 = arith.muli %add3A, %mul3A_1 : i32
    %dma_start3A = arith.constant 0 : i32
    %dma_start3A_3 = arith.constant 0 : i32
    %dma_start3A_4 = arith.constant 0 : i32
    %dma_start3A_5 = tpu.memref_slice %arg8[%dma_start3A, %dma_start3A_3, %dma_start3A_4] : memref<2x50x128xi32, #tpu.memory_space<vmem>> -> memref<1x50x128xi32, #tpu.memory_space<vmem>>
    %dma_start3A_6 = tpu.memref_squeeze %dma_start3A_5 : memref<1x50x128xi32, #tpu.memory_space<vmem>> -> memref<50x128xi32, #tpu.memory_space<vmem>>
    %dma_start3A_7 = arith.constant 0 : i32
    %dma_start3A_8 = arith.constant 0 : i32
    %dma_start3A_9 = tpu.memref_slice %arg2[%add3A, %dma_start3A_7, %dma_start3A_8] : memref<32x50x128xi32, #tpu.memory_space<hbm>> -> memref<1x50x128xi32, #tpu.memory_space<hbm>>
    %dma_start3A_10 = tpu.memref_squeeze %dma_start3A_9 : memref<1x50x128xi32, #tpu.memory_space<hbm>> -> memref<50x128xi32, #tpu.memory_space<hbm>>
    %dma_start3A_11 = arith.constant 0 : i32
    %dma_start3A_12 = arith.constant 0 : i32
    %dma_start3A_13 = tpu.memref_slice %arg8[%dma_start3A, %dma_start3A_11, %dma_start3A_12] : memref<2x50x128xi32, #tpu.memory_space<vmem>> -> memref<1x50x128xi32, #tpu.memory_space<vmem>>
    %dma_start3A_14 = tpu.memref_squeeze %dma_start3A_13 : memref<1x50x128xi32, #tpu.memory_space<vmem>> -> memref<50x128xi32, #tpu.memory_space<vmem>>
    %dma_start3A_15 = arith.constant 0 : i32
    %dma_start3A_16 = arith.constant 0 : i32
    %dma_start3A_17 = tpu.memref_slice %arg2[%add3A, %dma_start3A_15, %dma_start3A_16] : memref<32x50x128xi32, #tpu.memory_space<hbm>> -> memref<1x50x128xi32, #tpu.memory_space<hbm>>
    %dma_start3A_18 = tpu.memref_squeeze %dma_start3A_17 : memref<1x50x128xi32, #tpu.memory_space<hbm>> -> memref<50x128xi32, #tpu.memory_space<hbm>>
    tpu.enqueue_dma source(%dma_start3A_18 : memref<50x128xi32, #tpu.memory_space<hbm>>) target(%dma_start3A_14 : memref<50x128xi32, #tpu.memory_space<vmem>>) target_semaphore(%arg10 : memref<!tpu.dma_semaphore, #tpu.memory_space<semaphore_mem>>)
    %dma_start3A_19 = arith.constant 1 : i32
    %dma_start3A_20 = arith.constant 0 : i32
    %dma_start3A_21 = arith.constant 0 : i32
    %dma_start3A_22 = tpu.memref_slice %arg8[%dma_start3A_19, %dma_start3A_20, %dma_start3A_21] : memref<2x50x128xi32, #tpu.memory_space<vmem>> -> memref<1x50x128xi32, #tpu.memory_space<vmem>>
    %dma_start3A_23 = tpu.memref_squeeze %dma_start3A_22 : memref<1x50x128xi32, #tpu.memory_space<vmem>> -> memref<50x128xi32, #tpu.memory_space<vmem>>
    %dma_start3A_24 = arith.constant 0 : i32
    %dma_start3A_25 = arith.constant 0 : i32
    %dma_start3A_26 = tpu.memref_slice %arg3[%add3A, %dma_start3A_24, %dma_start3A_25] : memref<32x50x128xi32, #tpu.memory_space<hbm>> -> memref<1x50x128xi32, #tpu.memory_space<hbm>>
    %dma_start3A_27 = tpu.memref_squeeze %dma_start3A_26 : memref<1x50x128xi32, #tpu.memory_space<hbm>> -> memref<50x128xi32, #tpu.memory_space<hbm>>
    %dma_start3A_28 = arith.constant 0 : i32
    %dma_start3A_29 = arith.constant 0 : i32
    %dma_start3A_30 = tpu.memref_slice %arg8[%dma_start3A_19, %dma_start3A_28, %dma_start3A_29] : memref<2x50x128xi32, #tpu.memory_space<vmem>> -> memref<1x50x128xi32, #tpu.memory_space<vmem>>
    %dma_start3A_31 = tpu.memref_squeeze %dma_start3A_30 : memref<1x50x128xi32, #tpu.memory_space<vmem>> -> memref<50x128xi32, #tpu.memory_space<vmem>>
    %dma_start3A_32 = arith.constant 0 : i32
    %dma_start3A_33 = arith.constant 0 : i32
    %dma_start3A_34 = tpu.memref_slice %arg3[%add3A, %dma_start3A_32, %dma_start3A_33] : memref<32x50x128xi32, #tpu.memory_space<hbm>> -> memref<1x50x128xi32, #tpu.memory_space<hbm>>
    %dma_start3A_35 = tpu.memref_squeeze %dma_start3A_34 : memref<1x50x128xi32, #tpu.memory_space<hbm>> -> memref<50x128xi32, #tpu.memory_space<hbm>>
    tpu.enqueue_dma source(%dma_start3A_35 : memref<50x128xi32, #tpu.memory_space<hbm>>) target(%dma_start3A_31 : memref<50x128xi32, #tpu.memory_space<vmem>>) target_semaphore(%arg10 : memref<!tpu.dma_semaphore, #tpu.memory_space<semaphore_mem>>)
    %dma_wait3A = arith.constant 0 : i32
    %dma_wait3A_36 = arith.constant 0 : i32
    %dma_wait3A_37 = arith.constant 0 : i32
    %dma_wait3A_38 = tpu.memref_slice %arg8[%dma_wait3A, %dma_wait3A_36, %dma_wait3A_37] : memref<2x50x128xi32, #tpu.memory_space<vmem>> -> memref<1x50x128xi32, #tpu.memory_space<vmem>>
    %dma_wait3A_39 = tpu.memref_squeeze %dma_wait3A_38 : memref<1x50x128xi32, #tpu.memory_space<vmem>> -> memref<50x128xi32, #tpu.memory_space<vmem>>
    %dma_wait3A_40 = arith.constant 0 : i32
    %dma_wait3A_41 = arith.constant 0 : i32
    %dma_wait3A_42 = tpu.memref_slice %arg2[%add3A, %dma_wait3A_40, %dma_wait3A_41] : memref<32x50x128xi32, #tpu.memory_space<hbm>> -> memref<1x50x128xi32, #tpu.memory_space<hbm>>
    %dma_wait3A_43 = tpu.memref_squeeze %dma_wait3A_42 : memref<1x50x128xi32, #tpu.memory_space<hbm>> -> memref<50x128xi32, #tpu.memory_space<hbm>>
    %dma_wait3A_44 = arith.constant 0 : i32
    %dma_wait3A_45 = arith.constant 0 : i32
    %dma_wait3A_46 = tpu.memref_slice %arg8[%dma_wait3A, %dma_wait3A_44, %dma_wait3A_45] : memref<2x50x128xi32, #tpu.memory_space<vmem>> -> memref<1x50x128xi32, #tpu.memory_space<vmem>>
    %dma_wait3A_47 = tpu.memref_squeeze %dma_wait3A_46 : memref<1x50x128xi32, #tpu.memory_space<vmem>> -> memref<50x128xi32, #tpu.memory_space<vmem>>
    %dma_wait3A_48 = arith.constant 0 : i32
    %dma_wait3A_49 = arith.constant 0 : i32
    %dma_wait3A_50 = tpu.memref_slice %arg2[%add3A, %dma_wait3A_48, %dma_wait3A_49] : memref<32x50x128xi32, #tpu.memory_space<hbm>> -> memref<1x50x128xi32, #tpu.memory_space<hbm>>
    %dma_wait3A_51 = tpu.memref_squeeze %dma_wait3A_50 : memref<1x50x128xi32, #tpu.memory_space<hbm>> -> memref<50x128xi32, #tpu.memory_space<hbm>>
    tpu.wait_dma2 semaphore(%arg10 : memref<!tpu.dma_semaphore, #tpu.memory_space<semaphore_mem>>) src(%dma_wait3A_51 : memref<50x128xi32, #tpu.memory_space<hbm>>) dst(%dma_wait3A_47 : memref<50x128xi32, #tpu.memory_space<vmem>>)
    %dma_wait3A_52 = arith.constant 1 : i32
    %dma_wait3A_53 = arith.constant 0 : i32
    %dma_wait3A_54 = arith.constant 0 : i32
    %dma_wait3A_55 = tpu.memref_slice %arg8[%dma_wait3A_52, %dma_wait3A_53, %dma_wait3A_54] : memref<2x50x128xi32, #tpu.memory_space<vmem>> -> memref<1x50x128xi32, #tpu.memory_space<vmem>>
    %dma_wait3A_56 = tpu.memref_squeeze %dma_wait3A_55 : memref<1x50x128xi32, #tpu.memory_space<vmem>> -> memref<50x128xi32, #tpu.memory_space<vmem>>
    %dma_wait3A_57 = arith.constant 0 : i32
    %dma_wait3A_58 = arith.constant 0 : i32
    %dma_wait3A_59 = tpu.memref_slice %arg3[%add3A, %dma_wait3A_57, %dma_wait3A_58] : memref<32x50x128xi32, #tpu.memory_space<hbm>> -> memref<1x50x128xi32, #tpu.memory_space<hbm>>
    %dma_wait3A_60 = tpu.memref_squeeze %dma_wait3A_59 : memref<1x50x128xi32, #tpu.memory_space<hbm>> -> memref<50x128xi32, #tpu.memory_space<hbm>>
    %dma_wait3A_61 = arith.constant 0 : i32
    %dma_wait3A_62 = arith.constant 0 : i32
    %dma_wait3A_63 = tpu.memref_slice %arg8[%dma_wait3A_52, %dma_wait3A_61, %dma_wait3A_62] : memref<2x50x128xi32, #tpu.memory_space<vmem>> -> memref<1x50x128xi32, #tpu.memory_space<vmem>>
    %dma_wait3A_64 = tpu.memref_squeeze %dma_wait3A_63 : memref<1x50x128xi32, #tpu.memory_space<vmem>> -> memref<50x128xi32, #tpu.memory_space<vmem>>
    %dma_wait3A_65 = arith.constant 0 : i32
    %dma_wait3A_66 = arith.constant 0 : i32
    %dma_wait3A_67 = tpu.memref_slice %arg3[%add3A, %dma_wait3A_65, %dma_wait3A_66] : memref<32x50x128xi32, #tpu.memory_space<hbm>> -> memref<1x50x128xi32, #tpu.memory_space<hbm>>
    %dma_wait3A_68 = tpu.memref_squeeze %dma_wait3A_67 : memref<1x50x128xi32, #tpu.memory_space<hbm>> -> memref<50x128xi32, #tpu.memory_space<hbm>>
    tpu.wait_dma2 semaphore(%arg10 : memref<!tpu.dma_semaphore, #tpu.memory_space<semaphore_mem>>) src(%dma_wait3A_68 : memref<50x128xi32, #tpu.memory_space<hbm>>) dst(%dma_wait3A_64 : memref<50x128xi32, #tpu.memory_space<vmem>>)
    %dma_start3A_69 = arith.constant 0 : i32
    %dma_start3A_70 = arith.constant 0 : i32
    %dma_start3A_71 = arith.constant 0 : i32
    %dma_start3A_72 = arith.constant 0 : i32
    %dma_start3A_73 = arith.constant 0 : i32
    %dma_start3A_74 = tpu.memref_slice %arg9[%dma_start3A_71, %dma_start3A_72, %dma_start3A_73] : memref<5x128x128xf32, #tpu.memory_space<vmem>> -> memref<1x128x128xf32, #tpu.memory_space<vmem>>
    %dma_start3A_75 = tpu.memref_squeeze %dma_start3A_74 : memref<1x128x128xf32, #tpu.memory_space<vmem>> -> memref<128x128xf32, #tpu.memory_space<vmem>>
    %dma_start3A_76 = arith.constant 0 : i32
    %dma_start3A_77 = arith.constant 0 : i32
    %dma_start3A_78 = tpu.memref_slice %arg8[%dma_start3A_69, %dma_start3A_76, %dma_start3A_77] : memref<2x50x128xi32, #tpu.memory_space<vmem>> -> memref<1x50x128xi32, #tpu.memory_space<vmem>>
    %dma_start3A_79 = tpu.memref_squeeze %dma_start3A_78 : memref<1x50x128xi32, #tpu.memory_space<vmem>> -> memref<50x128xi32, #tpu.memory_space<vmem>>
    %dma_start3A_80 = arith.constant 0 : i32
    %dma_start3A_81 = tpu.memref_slice %dma_start3A_79[%dma_start3A_70, %dma_start3A_80] : memref<50x128xi32, #tpu.memory_space<vmem>> -> memref<1x128xi32, #tpu.memory_space<vmem>>
    %dma_start3A_82 = tpu.memref_squeeze %dma_start3A_81 : memref<1x128xi32, #tpu.memory_space<vmem>> -> memref<128xi32, #tpu.memory_space<vmem>>
    %dma_start3A_83 = arith.constant 0 : i32
    %dma_start3A_84 = arith.constant 0 : i32
    %dma_start3A_85 = tpu.memref_slice %arg4[%dma_start3A_83, %dma_start3A_84] : memref<100000x128xf32, #tpu.memory_space<hbm>> -> memref<100000x128xf32, #tpu.memory_space<hbm>>
    tpu.enqueue_indirect_dma source(%dma_start3A_85 : memref<100000x128xf32, #tpu.memory_space<hbm>>) target(%dma_start3A_75 : memref<128x128xf32, #tpu.memory_space<vmem>>) offsets(%dma_start3A_82 : memref<128xi32, #tpu.memory_space<vmem>>) semaphore(%arg10 : memref<!tpu.dma_semaphore, #tpu.memory_space<semaphore_mem>>)
    %dma_start3A_86 = arith.constant 0 : i32
    %dma_start3A_87 = arith.constant 1 : i32
    %dma_start3A_88 = arith.constant 1 : i32
    %dma_start3A_89 = arith.constant 0 : i32
    %dma_start3A_90 = arith.constant 0 : i32
    %dma_start3A_91 = tpu.memref_slice %arg9[%dma_start3A_88, %dma_start3A_89, %dma_start3A_90] : memref<5x128x128xf32, #tpu.memory_space<vmem>> -> memref<1x128x128xf32, #tpu.memory_space<vmem>>
    %dma_start3A_92 = tpu.memref_squeeze %dma_start3A_91 : memref<1x128x128xf32, #tpu.memory_space<vmem>> -> memref<128x128xf32, #tpu.memory_space<vmem>>
    %dma_start3A_93 = arith.constant 0 : i32
    %dma_start3A_94 = arith.constant 0 : i32
    %dma_start3A_95 = tpu.memref_slice %arg8[%dma_start3A_86, %dma_start3A_93, %dma_start3A_94] : memref<2x50x128xi32, #tpu.memory_space<vmem>> -> memref<1x50x128xi32, #tpu.memory_space<vmem>>
    %dma_start3A_96 = tpu.memref_squeeze %dma_start3A_95 : memref<1x50x128xi32, #tpu.memory_space<vmem>> -> memref<50x128xi32, #tpu.memory_space<vmem>>
    %dma_start3A_97 = arith.constant 0 : i32
    %dma_start3A_98 = tpu.memref_slice %dma_start3A_96[%dma_start3A_87, %dma_start3A_97] : memref<50x128xi32, #tpu.memory_space<vmem>> -> memref<1x128xi32, #tpu.memory_space<vmem>>
    %dma_start3A_99 = tpu.memref_squeeze %dma_start3A_98 : memref<1x128xi32, #tpu.memory_space<vmem>> -> memref<128xi32, #tpu.memory_space<vmem>>
    %dma_start3A_100 = arith.constant 0 : i32
    %dma_start3A_101 = arith.constant 0 : i32
    %dma_start3A_102 = tpu.memref_slice %arg4[%dma_start3A_100, %dma_start3A_101] : memref<100000x128xf32, #tpu.memory_space<hbm>> -> memref<100000x128xf32, #tpu.memory_space<hbm>>
    tpu.enqueue_indirect_dma source(%dma_start3A_102 : memref<100000x128xf32, #tpu.memory_space<hbm>>) target(%dma_start3A_92 : memref<128x128xf32, #tpu.memory_space<vmem>>) offsets(%dma_start3A_99 : memref<128xi32, #tpu.memory_space<vmem>>) semaphore(%arg10 : memref<!tpu.dma_semaphore, #tpu.memory_space<semaphore_mem>>)
    %dma_start3A_103 = arith.constant 0 : i32
    %dma_start3A_104 = arith.constant 2 : i32
    %dma_start3A_105 = arith.constant 2 : i32
    %dma_start3A_106 = arith.constant 0 : i32
    %dma_start3A_107 = arith.constant 0 : i32
    %dma_start3A_108 = tpu.memref_slice %arg9[%dma_start3A_105, %dma_start3A_106, %dma_start3A_107] : memref<5x128x128xf32, #tpu.memory_space<vmem>> -> memref<1x128x128xf32, #tpu.memory_space<vmem>>
    %dma_start3A_109 = tpu.memref_squeeze %dma_start3A_108 : memref<1x128x128xf32, #tpu.memory_space<vmem>> -> memref<128x128xf32, #tpu.memory_space<vmem>>
    %dma_start3A_110 = arith.constant 0 : i32
    %dma_start3A_111 = arith.constant 0 : i32
    %dma_start3A_112 = tpu.memref_slice %arg8[%dma_start3A_103, %dma_start3A_110, %dma_start3A_111] : memref<2x50x128xi32, #tpu.memory_space<vmem>> -> memref<1x50x128xi32, #tpu.memory_space<vmem>>
    %dma_start3A_113 = tpu.memref_squeeze %dma_start3A_112 : memref<1x50x128xi32, #tpu.memory_space<vmem>> -> memref<50x128xi32, #tpu.memory_space<vmem>>
    %dma_start3A_114 = arith.constant 0 : i32
    %dma_start3A_115 = tpu.memref_slice %dma_start3A_113[%dma_start3A_104, %dma_start3A_114] : memref<50x128xi32, #tpu.memory_space<vmem>> -> memref<1x128xi32, #tpu.memory_space<vmem>>
    %dma_start3A_116 = tpu.memref_squeeze %dma_start3A_115 : memref<1x128xi32, #tpu.memory_space<vmem>> -> memref<128xi32, #tpu.memory_space<vmem>>
    %dma_start3A_117 = arith.constant 0 : i32
    %dma_start3A_118 = arith.constant 0 : i32
    %dma_start3A_119 = tpu.memref_slice %arg4[%dma_start3A_117, %dma_start3A_118] : memref<100000x128xf32, #tpu.memory_space<hbm>> -> memref<100000x128xf32, #tpu.memory_space<hbm>>
    tpu.enqueue_indirect_dma source(%dma_start3A_119 : memref<100000x128xf32, #tpu.memory_space<hbm>>) target(%dma_start3A_109 : memref<128x128xf32, #tpu.memory_space<vmem>>) offsets(%dma_start3A_116 : memref<128xi32, #tpu.memory_space<vmem>>) semaphore(%arg10 : memref<!tpu.dma_semaphore, #tpu.memory_space<semaphore_mem>>)
    %dma_start3A_120 = arith.constant 0 : i32
    %dma_start3A_121 = arith.constant 3 : i32
    %dma_start3A_122 = arith.constant 3 : i32
    %dma_start3A_123 = arith.constant 0 : i32
    %dma_start3A_124 = arith.constant 0 : i32
    %dma_start3A_125 = tpu.memref_slice %arg9[%dma_start3A_122, %dma_start3A_123, %dma_start3A_124] : memref<5x128x128xf32, #tpu.memory_space<vmem>> -> memref<1x128x128xf32, #tpu.memory_space<vmem>>
    %dma_start3A_126 = tpu.memref_squeeze %dma_start3A_125 : memref<1x128x128xf32, #tpu.memory_space<vmem>> -> memref<128x128xf32, #tpu.memory_space<vmem>>
    %dma_start3A_127 = arith.constant 0 : i32
    %dma_start3A_128 = arith.constant 0 : i32
    %dma_start3A_129 = tpu.memref_slice %arg8[%dma_start3A_120, %dma_start3A_127, %dma_start3A_128] : memref<2x50x128xi32, #tpu.memory_space<vmem>> -> memref<1x50x128xi32, #tpu.memory_space<vmem>>
    %dma_start3A_130 = tpu.memref_squeeze %dma_start3A_129 : memref<1x50x128xi32, #tpu.memory_space<vmem>> -> memref<50x128xi32, #tpu.memory_space<vmem>>
    %dma_start3A_131 = arith.constant 0 : i32
    %dma_start3A_132 = tpu.memref_slice %dma_start3A_130[%dma_start3A_121, %dma_start3A_131] : memref<50x128xi32, #tpu.memory_space<vmem>> -> memref<1x128xi32, #tpu.memory_space<vmem>>
    %dma_start3A_133 = tpu.memref_squeeze %dma_start3A_132 : memref<1x128xi32, #tpu.memory_space<vmem>> -> memref<128xi32, #tpu.memory_space<vmem>>
    %dma_start3A_134 = arith.constant 0 : i32
    %dma_start3A_135 = arith.constant 0 : i32
    %dma_start3A_136 = tpu.memref_slice %arg4[%dma_start3A_134, %dma_start3A_135] : memref<100000x128xf32, #tpu.memory_space<hbm>> -> memref<100000x128xf32, #tpu.memory_space<hbm>>
    tpu.enqueue_indirect_dma source(%dma_start3A_136 : memref<100000x128xf32, #tpu.memory_space<hbm>>) target(%dma_start3A_126 : memref<128x128xf32, #tpu.memory_space<vmem>>) offsets(%dma_start3A_133 : memref<128xi32, #tpu.memory_space<vmem>>) semaphore(%arg10 : memref<!tpu.dma_semaphore, #tpu.memory_space<semaphore_mem>>)
    %dma_start3A_137 = arith.constant 0 : i32
    %dma_start3A_138 = arith.constant 4 : i32
    %dma_start3A_139 = arith.constant 4 : i32
    %dma_start3A_140 = arith.constant 0 : i32
    %dma_start3A_141 = arith.constant 0 : i32
    %dma_start3A_142 = tpu.memref_slice %arg9[%dma_start3A_139, %dma_start3A_140, %dma_start3A_141] : memref<5x128x128xf32, #tpu.memory_space<vmem>> -> memref<1x128x128xf32, #tpu.memory_space<vmem>>
    %dma_start3A_143 = tpu.memref_squeeze %dma_start3A_142 : memref<1x128x128xf32, #tpu.memory_space<vmem>> -> memref<128x128xf32, #tpu.memory_space<vmem>>
    %dma_start3A_144 = arith.constant 0 : i32
    %dma_start3A_145 = arith.constant 0 : i32
    %dma_start3A_146 = tpu.memref_slice %arg8[%dma_start3A_137, %dma_start3A_144, %dma_start3A_145] : memref<2x50x128xi32, #tpu.memory_space<vmem>> -> memref<1x50x128xi32, #tpu.memory_space<vmem>>
    %dma_start3A_147 = tpu.memref_squeeze %dma_start3A_146 : memref<1x50x128xi32, #tpu.memory_space<vmem>> -> memref<50x128xi32, #tpu.memory_space<vmem>>
    %dma_start3A_148 = arith.constant 0 : i32
    %dma_start3A_149 = tpu.memref_slice %dma_start3A_147[%dma_start3A_138, %dma_start3A_148] : memref<50x128xi32, #tpu.memory_space<vmem>> -> memref<1x128xi32, #tpu.memory_space<vmem>>
    %dma_start3A_150 = tpu.memref_squeeze %dma_start3A_149 : memref<1x128xi32, #tpu.memory_space<vmem>> -> memref<128xi32, #tpu.memory_space<vmem>>
    %dma_start3A_151 = arith.constant 0 : i32
    %dma_start3A_152 = arith.constant 0 : i32
    %dma_start3A_153 = tpu.memref_slice %arg4[%dma_start3A_151, %dma_start3A_152] : memref<100000x128xf32, #tpu.memory_space<hbm>> -> memref<100000x128xf32, #tpu.memory_space<hbm>>
    tpu.enqueue_indirect_dma source(%dma_start3A_153 : memref<100000x128xf32, #tpu.memory_space<hbm>>) target(%dma_start3A_143 : memref<128x128xf32, #tpu.memory_space<vmem>>) offsets(%dma_start3A_150 : memref<128xi32, #tpu.memory_space<vmem>>) semaphore(%arg10 : memref<!tpu.dma_semaphore, #tpu.memory_space<semaphore_mem>>)
    %scan3A = arith.constant 0 : i32
    %scan3A_154 = arith.constant 10 : i32
    %scan3A_155 = arith.addi %scan3A, %scan3A_154 : i32
    %scan3A_156 = arith.constant 1 : i32
    scf.for %scan3A_163 = %scan3A to %scan3A_155 step %scan3A_156  : i32 {
      %mul3A_164 = arith.constant 1 : i32
      %mul3A_165 = arith.muli %scan3A_163, %mul3A_164 : i32
      %add3A_166 = arith.constant 0 : i32
      %add3A_167 = arith.addi %add3A_166, %mul3A_165 : i32
      %mul3A_168 = arith.constant 5 : i32
      %mul3A_169 = arith.muli %add3A_167, %mul3A_168 : i32
      %add3A_170 = arith.constant 0 : i32
      %add3A_171 = arith.addi %mul3A_169, %add3A_170 : i32
      %dma_wait3A_172 = arith.constant 0 : i32
      %dma_wait3A_173 = arith.constant 0 : i32
      %dma_wait3A_174 = arith.constant 0 : i32
      %dma_wait3A_175 = arith.constant 0 : i32
      %dma_wait3A_176 = arith.constant 0 : i32
      %dma_wait3A_177 = tpu.memref_slice %arg9[%dma_wait3A_174, %dma_wait3A_175, %dma_wait3A_176] : memref<5x128x128xf32, #tpu.memory_space<vmem>> -> memref<1x128x128xf32, #tpu.memory_space<vmem>>
      %dma_wait3A_178 = tpu.memref_squeeze %dma_wait3A_177 : memref<1x128x128xf32, #tpu.memory_space<vmem>> -> memref<128x128xf32, #tpu.memory_space<vmem>>
      %dma_wait3A_179 = arith.constant 0 : i32
      %dma_wait3A_180 = arith.constant 0 : i32
      %dma_wait3A_181 = tpu.memref_slice %arg8[%dma_wait3A_172, %dma_wait3A_179, %dma_wait3A_180] : memref<2x50x128xi32, #tpu.memory_space<vmem>> -> memref<1x50x128xi32, #tpu.memory_space<vmem>>
      %dma_wait3A_182 = tpu.memref_squeeze %dma_wait3A_181 : memref<1x50x128xi32, #tpu.memory_space<vmem>> -> memref<50x128xi32, #tpu.memory_space<vmem>>
      %dma_wait3A_183 = arith.constant 0 : i32
      %dma_wait3A_184 = tpu.memref_slice %dma_wait3A_182[%dma_wait3A_173, %dma_wait3A_183] : memref<50x128xi32, #tpu.memory_space<vmem>> -> memref<1x128xi32, #tpu.memory_space<vmem>>
      %dma_wait3A_185 = tpu.memref_squeeze %dma_wait3A_184 : memref<1x128xi32, #tpu.memory_space<vmem>> -> memref<128xi32, #tpu.memory_space<vmem>>
      %dma_wait3A_186 = arith.constant 0 : i32
      %dma_wait3A_187 = arith.constant 0 : i32
      %dma_wait3A_188 = tpu.memref_slice %arg4[%dma_wait3A_186, %dma_wait3A_187] : memref<100000x128xf32, #tpu.memory_space<hbm>> -> memref<100000x128xf32, #tpu.memory_space<hbm>>
      tpu.wait_indirect_dma semaphore(%arg10 : memref<!tpu.dma_semaphore, #tpu.memory_space<semaphore_mem>>) src(%dma_wait3A_188 : memref<100000x128xf32, #tpu.memory_space<hbm>>) dst(%dma_wait3A_178 : memref<128x128xf32, #tpu.memory_space<vmem>>)
      %mul3A_189 = arith.constant 128 : i32
      %mul3A_190 = arith.muli %add3A_171, %mul3A_189 : i32
      %add3A_191 = arith.addi %mul3A_2, %mul3A_190 : i32
      %dma_start3A_192 = arith.constant 0 : i32
      %dma_start3A_193 = arith.constant 0 : i32
      %dma_start3A_194 = arith.constant 0 : i32
      %dma_start3A_195 = tpu.memref_slice %arg9[%dma_start3A_192, %dma_start3A_193, %dma_start3A_194] : memref<5x128x128xf32, #tpu.memory_space<vmem>> -> memref<1x128x128xf32, #tpu.memory_space<vmem>>
      %dma_start3A_196 = tpu.memref_squeeze %dma_start3A_195 : memref<1x128x128xf32, #tpu.memory_space<vmem>> -> memref<128x128xf32, #tpu.memory_space<vmem>>
      %dma_start3A_197 = arith.constant 0 : i32
      %dma_start3A_198 = tpu.memref_slice %arg6[%add3A_191, %dma_start3A_197] : memref<204800x128xf32, #tpu.memory_space<hbm>> -> memref<128x128xf32, #tpu.memory_space<hbm>>
      %dma_start3A_199 = arith.constant 0 : i32
      %dma_start3A_200 = tpu.memref_slice %arg6[%add3A_191, %dma_start3A_199] : memref<204800x128xf32, #tpu.memory_space<hbm>> -> memref<128x128xf32, #tpu.memory_space<hbm>>
      %dma_start3A_201 = arith.constant 0 : i32
      %dma_start3A_202 = arith.constant 0 : i32
      %dma_start3A_203 = tpu.memref_slice %arg9[%dma_start3A_192, %dma_start3A_201, %dma_start3A_202] : memref<5x128x128xf32, #tpu.memory_space<vmem>> -> memref<1x128x128xf32, #tpu.memory_space<vmem>>
      %dma_start3A_204 = tpu.memref_squeeze %dma_start3A_203 : memref<1x128x128xf32, #tpu.memory_space<vmem>> -> memref<128x128xf32, #tpu.memory_space<vmem>>
      tpu.enqueue_dma source(%dma_start3A_204 : memref<128x128xf32, #tpu.memory_space<vmem>>) target(%dma_start3A_200 : memref<128x128xf32, #tpu.memory_space<hbm>>) target_semaphore(%arg11 : memref<!tpu.dma_semaphore, #tpu.memory_space<semaphore_mem>>)
      %mul3A_205 = arith.constant 5 : i32
      %mul3A_206 = arith.muli %add3A_167, %mul3A_205 : i32
      %add3A_207 = arith.constant 1 : i32
      %add3A_208 = arith.addi %mul3A_206, %add3A_207 : i32
      %dma_wait3A_209 = arith.constant 0 : i32
      %dma_wait3A_210 = arith.constant 1 : i32
      %dma_wait3A_211 = arith.constant 1 : i32
      %dma_wait3A_212 = arith.constant 0 : i32
      %dma_wait3A_213 = arith.constant 0 : i32
      %dma_wait3A_214 = tpu.memref_slice %arg9[%dma_wait3A_211, %dma_wait3A_212, %dma_wait3A_213] : memref<5x128x128xf32, #tpu.memory_space<vmem>> -> memref<1x128x128xf32, #tpu.memory_space<vmem>>
      %dma_wait3A_215 = tpu.memref_squeeze %dma_wait3A_214 : memref<1x128x128xf32, #tpu.memory_space<vmem>> -> memref<128x128xf32, #tpu.memory_space<vmem>>
      %dma_wait3A_216 = arith.constant 0 : i32
      %dma_wait3A_217 = arith.constant 0 : i32
      %dma_wait3A_218 = tpu.memref_slice %arg8[%dma_wait3A_209, %dma_wait3A_216, %dma_wait3A_217] : memref<2x50x128xi32, #tpu.memory_space<vmem>> -> memref<1x50x128xi32, #tpu.memory_space<vmem>>
      %dma_wait3A_219 = tpu.memref_squeeze %dma_wait3A_218 : memref<1x50x128xi32, #tpu.memory_space<vmem>> -> memref<50x128xi32, #tpu.memory_space<vmem>>
      %dma_wait3A_220 = arith.constant 0 : i32
      %dma_wait3A_221 = tpu.memref_slice %dma_wait3A_219[%dma_wait3A_210, %dma_wait3A_220] : memref<50x128xi32, #tpu.memory_space<vmem>> -> memref<1x128xi32, #tpu.memory_space<vmem>>
      %dma_wait3A_222 = tpu.memref_squeeze %dma_wait3A_221 : memref<1x128xi32, #tpu.memory_space<vmem>> -> memref<128xi32, #tpu.memory_space<vmem>>
      %dma_wait3A_223 = arith.constant 0 : i32
      %dma_wait3A_224 = arith.constant 0 : i32
      %dma_wait3A_225 = tpu.memref_slice %arg4[%dma_wait3A_223, %dma_wait3A_224] : memref<100000x128xf32, #tpu.memory_space<hbm>> -> memref<100000x128xf32, #tpu.memory_space<hbm>>
      tpu.wait_indirect_dma semaphore(%arg10 : memref<!tpu.dma_semaphore, #tpu.memory_space<semaphore_mem>>) src(%dma_wait3A_225 : memref<100000x128xf32, #tpu.memory_space<hbm>>) dst(%dma_wait3A_215 : memref<128x128xf32, #tpu.memory_space<vmem>>)
      %mul3A_226 = arith.constant 128 : i32
      %mul3A_227 = arith.muli %add3A_208, %mul3A_226 : i32
      %add3A_228 = arith.addi %mul3A_2, %mul3A_227 : i32
      %dma_start3A_229 = arith.constant 1 : i32
      %dma_start3A_230 = arith.constant 0 : i32
      %dma_start3A_231 = arith.constant 0 : i32
      %dma_start3A_232 = tpu.memref_slice %arg9[%dma_start3A_229, %dma_start3A_230, %dma_start3A_231] : memref<5x128x128xf32, #tpu.memory_space<vmem>> -> memref<1x128x128xf32, #tpu.memory_space<vmem>>
      %dma_start3A_233 = tpu.memref_squeeze %dma_start3A_232 : memref<1x128x128xf32, #tpu.memory_space<vmem>> -> memref<128x128xf32, #tpu.memory_space<vmem>>
      %dma_start3A_234 = arith.constant 0 : i32
      %dma_start3A_235 = tpu.memref_slice %arg6[%add3A_228, %dma_start3A_234] : memref<204800x128xf32, #tpu.memory_space<hbm>> -> memref<128x128xf32, #tpu.memory_space<hbm>>
      %dma_start3A_236 = arith.constant 0 : i32
      %dma_start3A_237 = tpu.memref_slice %arg6[%add3A_228, %dma_start3A_236] : memref<204800x128xf32, #tpu.memory_space<hbm>> -> memref<128x128xf32, #tpu.memory_space<hbm>>
      %dma_start3A_238 = arith.constant 0 : i32
      %dma_start3A_239 = arith.constant 0 : i32
      %dma_start3A_240 = tpu.memref_slice %arg9[%dma_start3A_229, %dma_start3A_238, %dma_start3A_239] : memref<5x128x128xf32, #tpu.memory_space<vmem>> -> memref<1x128x128xf32, #tpu.memory_space<vmem>>
      %dma_start3A_241 = tpu.memref_squeeze %dma_start3A_240 : memref<1x128x128xf32, #tpu.memory_space<vmem>> -> memref<128x128xf32, #tpu.memory_space<vmem>>
      tpu.enqueue_dma source(%dma_start3A_241 : memref<128x128xf32, #tpu.memory_space<vmem>>) target(%dma_start3A_237 : memref<128x128xf32, #tpu.memory_space<hbm>>) target_semaphore(%arg11 : memref<!tpu.dma_semaphore, #tpu.memory_space<semaphore_mem>>)
      %mul3A_242 = arith.constant 5 : i32
      %mul3A_243 = arith.muli %add3A_167, %mul3A_242 : i32
      %add3A_244 = arith.constant 2 : i32
      %add3A_245 = arith.addi %mul3A_243, %add3A_244 : i32
      %dma_wait3A_246 = arith.constant 0 : i32
      %dma_wait3A_247 = arith.constant 2 : i32
      %dma_wait3A_248 = arith.constant 2 : i32
      %dma_wait3A_249 = arith.constant 0 : i32
      %dma_wait3A_250 = arith.constant 0 : i32
      %dma_wait3A_251 = tpu.memref_slice %arg9[%dma_wait3A_248, %dma_wait3A_249, %dma_wait3A_250] : memref<5x128x128xf32, #tpu.memory_space<vmem>> -> memref<1x128x128xf32, #tpu.memory_space<vmem>>
      %dma_wait3A_252 = tpu.memref_squeeze %dma_wait3A_251 : memref<1x128x128xf32, #tpu.memory_space<vmem>> -> memref<128x128xf32, #tpu.memory_space<vmem>>
      %dma_wait3A_253 = arith.constant 0 : i32
      %dma_wait3A_254 = arith.constant 0 : i32
      %dma_wait3A_255 = tpu.memref_slice %arg8[%dma_wait3A_246, %dma_wait3A_253, %dma_wait3A_254] : memref<2x50x128xi32, #tpu.memory_space<vmem>> -> memref<1x50x128xi32, #tpu.memory_space<vmem>>
      %dma_wait3A_256 = tpu.memref_squeeze %dma_wait3A_255 : memref<1x50x128xi32, #tpu.memory_space<vmem>> -> memref<50x128xi32, #tpu.memory_space<vmem>>
      %dma_wait3A_257 = arith.constant 0 : i32
      %dma_wait3A_258 = tpu.memref_slice %dma_wait3A_256[%dma_wait3A_247, %dma_wait3A_257] : memref<50x128xi32, #tpu.memory_space<vmem>> -> memref<1x128xi32, #tpu.memory_space<vmem>>
      %dma_wait3A_259 = tpu.memref_squeeze %dma_wait3A_258 : memref<1x128xi32, #tpu.memory_space<vmem>> -> memref<128xi32, #tpu.memory_space<vmem>>
      %dma_wait3A_260 = arith.constant 0 : i32
      %dma_wait3A_261 = arith.constant 0 : i32
      %dma_wait3A_262 = tpu.memref_slice %arg4[%dma_wait3A_260, %dma_wait3A_261] : memref<100000x128xf32, #tpu.memory_space<hbm>> -> memref<100000x128xf32, #tpu.memory_space<hbm>>
      tpu.wait_indirect_dma semaphore(%arg10 : memref<!tpu.dma_semaphore, #tpu.memory_space<semaphore_mem>>) src(%dma_wait3A_262 : memref<100000x128xf32, #tpu.memory_space<hbm>>) dst(%dma_wait3A_252 : memref<128x128xf32, #tpu.memory_space<vmem>>)
      %mul3A_263 = arith.constant 128 : i32
      %mul3A_264 = arith.muli %add3A_245, %mul3A_263 : i32
      %add3A_265 = arith.addi %mul3A_2, %mul3A_264 : i32
      %dma_start3A_266 = arith.constant 2 : i32
      %dma_start3A_267 = arith.constant 0 : i32
      %dma_start3A_268 = arith.constant 0 : i32
      %dma_start3A_269 = tpu.memref_slice %arg9[%dma_start3A_266, %dma_start3A_267, %dma_start3A_268] : memref<5x128x128xf32, #tpu.memory_space<vmem>> -> memref<1x128x128xf32, #tpu.memory_space<vmem>>
      %dma_start3A_270 = tpu.memref_squeeze %dma_start3A_269 : memref<1x128x128xf32, #tpu.memory_space<vmem>> -> memref<128x128xf32, #tpu.memory_space<vmem>>
      %dma_start3A_271 = arith.constant 0 : i32
      %dma_start3A_272 = tpu.memref_slice %arg6[%add3A_265, %dma_start3A_271] : memref<204800x128xf32, #tpu.memory_space<hbm>> -> memref<128x128xf32, #tpu.memory_space<hbm>>
      %dma_start3A_273 = arith.constant 0 : i32
      %dma_start3A_274 = tpu.memref_slice %arg6[%add3A_265, %dma_start3A_273] : memref<204800x128xf32, #tpu.memory_space<hbm>> -> memref<128x128xf32, #tpu.memory_space<hbm>>
      %dma_start3A_275 = arith.constant 0 : i32
      %dma_start3A_276 = arith.constant 0 : i32
      %dma_start3A_277 = tpu.memref_slice %arg9[%dma_start3A_266, %dma_start3A_275, %dma_start3A_276] : memref<5x128x128xf32, #tpu.memory_space<vmem>> -> memref<1x128x128xf32, #tpu.memory_space<vmem>>
      %dma_start3A_278 = tpu.memref_squeeze %dma_start3A_277 : memref<1x128x128xf32, #tpu.memory_space<vmem>> -> memref<128x128xf32, #tpu.memory_space<vmem>>
      tpu.enqueue_dma source(%dma_start3A_278 : memref<128x128xf32, #tpu.memory_space<vmem>>) target(%dma_start3A_274 : memref<128x128xf32, #tpu.memory_space<hbm>>) target_semaphore(%arg11 : memref<!tpu.dma_semaphore, #tpu.memory_space<semaphore_mem>>)
      %mul3A_279 = arith.constant 5 : i32
      %mul3A_280 = arith.muli %add3A_167, %mul3A_279 : i32
      %add3A_281 = arith.constant 3 : i32
      %add3A_282 = arith.addi %mul3A_280, %add3A_281 : i32
      %dma_wait3A_283 = arith.constant 0 : i32
      %dma_wait3A_284 = arith.constant 3 : i32
      %dma_wait3A_285 = arith.constant 3 : i32
      %dma_wait3A_286 = arith.constant 0 : i32
      %dma_wait3A_287 = arith.constant 0 : i32
      %dma_wait3A_288 = tpu.memref_slice %arg9[%dma_wait3A_285, %dma_wait3A_286, %dma_wait3A_287] : memref<5x128x128xf32, #tpu.memory_space<vmem>> -> memref<1x128x128xf32, #tpu.memory_space<vmem>>
      %dma_wait3A_289 = tpu.memref_squeeze %dma_wait3A_288 : memref<1x128x128xf32, #tpu.memory_space<vmem>> -> memref<128x128xf32, #tpu.memory_space<vmem>>
      %dma_wait3A_290 = arith.constant 0 : i32
      %dma_wait3A_291 = arith.constant 0 : i32
      %dma_wait3A_292 = tpu.memref_slice %arg8[%dma_wait3A_283, %dma_wait3A_290, %dma_wait3A_291] : memref<2x50x128xi32, #tpu.memory_space<vmem>> -> memref<1x50x128xi32, #tpu.memory_space<vmem>>
      %dma_wait3A_293 = tpu.memref_squeeze %dma_wait3A_292 : memref<1x50x128xi32, #tpu.memory_space<vmem>> -> memref<50x128xi32, #tpu.memory_space<vmem>>
      %dma_wait3A_294 = arith.constant 0 : i32
      %dma_wait3A_295 = tpu.memref_slice %dma_wait3A_293[%dma_wait3A_284, %dma_wait3A_294] : memref<50x128xi32, #tpu.memory_space<vmem>> -> memref<1x128xi32, #tpu.memory_space<vmem>>
      %dma_wait3A_296 = tpu.memref_squeeze %dma_wait3A_295 : memref<1x128xi32, #tpu.memory_space<vmem>> -> memref<128xi32, #tpu.memory_space<vmem>>
      %dma_wait3A_297 = arith.constant 0 : i32
      %dma_wait3A_298 = arith.constant 0 : i32
      %dma_wait3A_299 = tpu.memref_slice %arg4[%dma_wait3A_297, %dma_wait3A_298] : memref<100000x128xf32, #tpu.memory_space<hbm>> -> memref<100000x128xf32, #tpu.memory_space<hbm>>
      tpu.wait_indirect_dma semaphore(%arg10 : memref<!tpu.dma_semaphore, #tpu.memory_space<semaphore_mem>>) src(%dma_wait3A_299 : memref<100000x128xf32, #tpu.memory_space<hbm>>) dst(%dma_wait3A_289 : memref<128x128xf32, #tpu.memory_space<vmem>>)
      %mul3A_300 = arith.constant 128 : i32
      %mul3A_301 = arith.muli %add3A_282, %mul3A_300 : i32
      %add3A_302 = arith.addi %mul3A_2, %mul3A_301 : i32
      %dma_start3A_303 = arith.constant 3 : i32
      %dma_start3A_304 = arith.constant 0 : i32
      %dma_start3A_305 = arith.constant 0 : i32
      %dma_start3A_306 = tpu.memref_slice %arg9[%dma_start3A_303, %dma_start3A_304, %dma_start3A_305] : memref<5x128x128xf32, #tpu.memory_space<vmem>> -> memref<1x128x128xf32, #tpu.memory_space<vmem>>
      %dma_start3A_307 = tpu.memref_squeeze %dma_start3A_306 : memref<1x128x128xf32, #tpu.memory_space<vmem>> -> memref<128x128xf32, #tpu.memory_space<vmem>>
      %dma_start3A_308 = arith.constant 0 : i32
      %dma_start3A_309 = tpu.memref_slice %arg6[%add3A_302, %dma_start3A_308] : memref<204800x128xf32, #tpu.memory_space<hbm>> -> memref<128x128xf32, #tpu.memory_space<hbm>>
      %dma_start3A_310 = arith.constant 0 : i32
      %dma_start3A_311 = tpu.memref_slice %arg6[%add3A_302, %dma_start3A_310] : memref<204800x128xf32, #tpu.memory_space<hbm>> -> memref<128x128xf32, #tpu.memory_space<hbm>>
      %dma_start3A_312 = arith.constant 0 : i32
      %dma_start3A_313 = arith.constant 0 : i32
      %dma_start3A_314 = tpu.memref_slice %arg9[%dma_start3A_303, %dma_start3A_312, %dma_start3A_313] : memref<5x128x128xf32, #tpu.memory_space<vmem>> -> memref<1x128x128xf32, #tpu.memory_space<vmem>>
      %dma_start3A_315 = tpu.memref_squeeze %dma_start3A_314 : memref<1x128x128xf32, #tpu.memory_space<vmem>> -> memref<128x128xf32, #tpu.memory_space<vmem>>
      tpu.enqueue_dma source(%dma_start3A_315 : memref<128x128xf32, #tpu.memory_space<vmem>>) target(%dma_start3A_311 : memref<128x128xf32, #tpu.memory_space<hbm>>) target_semaphore(%arg11 : memref<!tpu.dma_semaphore, #tpu.memory_space<semaphore_mem>>)
      %mul3A_316 = arith.constant 5 : i32
      %mul3A_317 = arith.muli %add3A_167, %mul3A_316 : i32
      %add3A_318 = arith.constant 4 : i32
      %add3A_319 = arith.addi %mul3A_317, %add3A_318 : i32
      %dma_wait3A_320 = arith.constant 0 : i32
      %dma_wait3A_321 = arith.constant 4 : i32
      %dma_wait3A_322 = arith.constant 4 : i32
      %dma_wait3A_323 = arith.constant 0 : i32
      %dma_wait3A_324 = arith.constant 0 : i32
      %dma_wait3A_325 = tpu.memref_slice %arg9[%dma_wait3A_322, %dma_wait3A_323, %dma_wait3A_324] : memref<5x128x128xf32, #tpu.memory_space<vmem>> -> memref<1x128x128xf32, #tpu.memory_space<vmem>>
      %dma_wait3A_326 = tpu.memref_squeeze %dma_wait3A_325 : memref<1x128x128xf32, #tpu.memory_space<vmem>> -> memref<128x128xf32, #tpu.memory_space<vmem>>
      %dma_wait3A_327 = arith.constant 0 : i32
      %dma_wait3A_328 = arith.constant 0 : i32
      %dma_wait3A_329 = tpu.memref_slice %arg8[%dma_wait3A_320, %dma_wait3A_327, %dma_wait3A_328] : memref<2x50x128xi32, #tpu.memory_space<vmem>> -> memref<1x50x128xi32, #tpu.memory_space<vmem>>
      %dma_wait3A_330 = tpu.memref_squeeze %dma_wait3A_329 : memref<1x50x128xi32, #tpu.memory_space<vmem>> -> memref<50x128xi32, #tpu.memory_space<vmem>>
      %dma_wait3A_331 = arith.constant 0 : i32
      %dma_wait3A_332 = tpu.memref_slice %dma_wait3A_330[%dma_wait3A_321, %dma_wait3A_331] : memref<50x128xi32, #tpu.memory_space<vmem>> -> memref<1x128xi32, #tpu.memory_space<vmem>>
      %dma_wait3A_333 = tpu.memref_squeeze %dma_wait3A_332 : memref<1x128xi32, #tpu.memory_space<vmem>> -> memref<128xi32, #tpu.memory_space<vmem>>
      %dma_wait3A_334 = arith.constant 0 : i32
      %dma_wait3A_335 = arith.constant 0 : i32
      %dma_wait3A_336 = tpu.memref_slice %arg4[%dma_wait3A_334, %dma_wait3A_335] : memref<100000x128xf32, #tpu.memory_space<hbm>> -> memref<100000x128xf32, #tpu.memory_space<hbm>>
      tpu.wait_indirect_dma semaphore(%arg10 : memref<!tpu.dma_semaphore, #tpu.memory_space<semaphore_mem>>) src(%dma_wait3A_336 : memref<100000x128xf32, #tpu.memory_space<hbm>>) dst(%dma_wait3A_326 : memref<128x128xf32, #tpu.memory_space<vmem>>)
      %mul3A_337 = arith.constant 128 : i32
      %mul3A_338 = arith.muli %add3A_319, %mul3A_337 : i32
      %add3A_339 = arith.addi %mul3A_2, %mul3A_338 : i32
      %dma_start3A_340 = arith.constant 4 : i32
      %dma_start3A_341 = arith.constant 0 : i32
      %dma_start3A_342 = arith.constant 0 : i32
      %dma_start3A_343 = tpu.memref_slice %arg9[%dma_start3A_340, %dma_start3A_341, %dma_start3A_342] : memref<5x128x128xf32, #tpu.memory_space<vmem>> -> memref<1x128x128xf32, #tpu.memory_space<vmem>>
      %dma_start3A_344 = tpu.memref_squeeze %dma_start3A_343 : memref<1x128x128xf32, #tpu.memory_space<vmem>> -> memref<128x128xf32, #tpu.memory_space<vmem>>
      %dma_start3A_345 = arith.constant 0 : i32
      %dma_start3A_346 = tpu.memref_slice %arg6[%add3A_339, %dma_start3A_345] : memref<204800x128xf32, #tpu.memory_space<hbm>> -> memref<128x128xf32, #tpu.memory_space<hbm>>
      %dma_start3A_347 = arith.constant 0 : i32
      %dma_start3A_348 = tpu.memref_slice %arg6[%add3A_339, %dma_start3A_347] : memref<204800x128xf32, #tpu.memory_space<hbm>> -> memref<128x128xf32, #tpu.memory_space<hbm>>
      %dma_start3A_349 = arith.constant 0 : i32
      %dma_start3A_350 = arith.constant 0 : i32
      %dma_start3A_351 = tpu.memref_slice %arg9[%dma_start3A_340, %dma_start3A_349, %dma_start3A_350] : memref<5x128x128xf32, #tpu.memory_space<vmem>> -> memref<1x128x128xf32, #tpu.memory_space<vmem>>
      %dma_start3A_352 = tpu.memref_squeeze %dma_start3A_351 : memref<1x128x128xf32, #tpu.memory_space<vmem>> -> memref<128x128xf32, #tpu.memory_space<vmem>>
      tpu.enqueue_dma source(%dma_start3A_352 : memref<128x128xf32, #tpu.memory_space<vmem>>) target(%dma_start3A_348 : memref<128x128xf32, #tpu.memory_space<hbm>>) target_semaphore(%arg11 : memref<!tpu.dma_semaphore, #tpu.memory_space<semaphore_mem>>)
      %dma_wait3A_353 = arith.constant 0 : i32
      %dma_wait3A_354 = arith.constant 0 : i32
      %dma_wait3A_355 = arith.constant 0 : i32
      %dma_wait3A_356 = tpu.memref_slice %arg9[%dma_wait3A_353, %dma_wait3A_354, %dma_wait3A_355] : memref<5x128x128xf32, #tpu.memory_space<vmem>> -> memref<1x128x128xf32, #tpu.memory_space<vmem>>
      %dma_wait3A_357 = tpu.memref_squeeze %dma_wait3A_356 : memref<1x128x128xf32, #tpu.memory_space<vmem>> -> memref<128x128xf32, #tpu.memory_space<vmem>>
      %dma_wait3A_358 = arith.constant 0 : i32
      %dma_wait3A_359 = tpu.memref_slice %arg6[%mul3A_2, %dma_wait3A_358] : memref<204800x128xf32, #tpu.memory_space<hbm>> -> memref<128x128xf32, #tpu.memory_space<hbm>>
      %dma_wait3A_360 = arith.constant 0 : i32
      %dma_wait3A_361 = tpu.memref_slice %arg6[%mul3A_2, %dma_wait3A_360] : memref<204800x128xf32, #tpu.memory_space<hbm>> -> memref<128x128xf32, #tpu.memory_space<hbm>>
      %dma_wait3A_362 = arith.constant 0 : i32
      %dma_wait3A_363 = arith.constant 0 : i32
      %dma_wait3A_364 = tpu.memref_slice %arg9[%dma_wait3A_353, %dma_wait3A_362, %dma_wait3A_363] : memref<5x128x128xf32, #tpu.memory_space<vmem>> -> memref<1x128x128xf32, #tpu.memory_space<vmem>>
      %dma_wait3A_365 = tpu.memref_squeeze %dma_wait3A_364 : memref<1x128x128xf32, #tpu.memory_space<vmem>> -> memref<128x128xf32, #tpu.memory_space<vmem>>
      tpu.wait_dma2 semaphore(%arg11 : memref<!tpu.dma_semaphore, #tpu.memory_space<semaphore_mem>>) src(%dma_wait3A_365 : memref<128x128xf32, #tpu.memory_space<vmem>>) dst(%dma_wait3A_361 : memref<128x128xf32, #tpu.memory_space<hbm>>)
      %add3A_366 = arith.constant 1 : i32
      %add3A_367 = arith.addi %add3A_167, %add3A_366 : i32
      %lt3A = arith.constant 10 : i32
      %lt3A_368 = arith.cmpi slt, %add3A_367, %lt3A : i32
      %convert_element_type3A = arith.extui %lt3A_368 : i1 to i32
      %cond3A = arith.constant 0 : i32
      %cond3A_369 = arith.cmpi ne, %convert_element_type3A, %cond3A : i32
      scf.if %cond3A_369 {
        %add3A_484 = arith.constant 1 : i32
        %add3A_485 = arith.addi %add3A_167, %add3A_484 : i32
        %mul3A_486 = arith.constant 5 : i32
        %mul3A_487 = arith.muli %add3A_485, %mul3A_486 : i32
        %add3A_488 = arith.constant 0 : i32
        %add3A_489 = arith.addi %mul3A_487, %add3A_488 : i32
        %dma_start3A_490 = arith.constant 0 : i32
        %dma_start3A_491 = arith.constant 0 : i32
        %dma_start3A_492 = arith.constant 0 : i32
        %dma_start3A_493 = arith.constant 0 : i32
        %dma_start3A_494 = tpu.memref_slice %arg9[%dma_start3A_491, %dma_start3A_492, %dma_start3A_493] : memref<5x128x128xf32, #tpu.memory_space<vmem>> -> memref<1x128x128xf32, #tpu.memory_space<vmem>>
        %dma_start3A_495 = tpu.memref_squeeze %dma_start3A_494 : memref<1x128x128xf32, #tpu.memory_space<vmem>> -> memref<128x128xf32, #tpu.memory_space<vmem>>
        %dma_start3A_496 = arith.constant 0 : i32
        %dma_start3A_497 = arith.constant 0 : i32
        %dma_start3A_498 = tpu.memref_slice %arg8[%dma_start3A_490, %dma_start3A_496, %dma_start3A_497] : memref<2x50x128xi32, #tpu.memory_space<vmem>> -> memref<1x50x128xi32, #tpu.memory_space<vmem>>
        %dma_start3A_499 = tpu.memref_squeeze %dma_start3A_498 : memref<1x50x128xi32, #tpu.memory_space<vmem>> -> memref<50x128xi32, #tpu.memory_space<vmem>>
        %dma_start3A_500 = arith.constant 0 : i32
        %dma_start3A_501 = tpu.memref_slice %dma_start3A_499[%add3A_489, %dma_start3A_500] : memref<50x128xi32, #tpu.memory_space<vmem>> -> memref<1x128xi32, #tpu.memory_space<vmem>>
        %dma_start3A_502 = tpu.memref_squeeze %dma_start3A_501 : memref<1x128xi32, #tpu.memory_space<vmem>> -> memref<128xi32, #tpu.memory_space<vmem>>
        %dma_start3A_503 = arith.constant 0 : i32
        %dma_start3A_504 = arith.constant 0 : i32
        %dma_start3A_505 = tpu.memref_slice %arg4[%dma_start3A_503, %dma_start3A_504] : memref<100000x128xf32, #tpu.memory_space<hbm>> -> memref<100000x128xf32, #tpu.memory_space<hbm>>
        tpu.enqueue_indirect_dma source(%dma_start3A_505 : memref<100000x128xf32, #tpu.memory_space<hbm>>) target(%dma_start3A_495 : memref<128x128xf32, #tpu.memory_space<vmem>>) offsets(%dma_start3A_502 : memref<128xi32, #tpu.memory_space<vmem>>) semaphore(%arg10 : memref<!tpu.dma_semaphore, #tpu.memory_space<semaphore_mem>>)
      } else {
      }
      %add3A_370 = arith.constant 1 : i32
      %add3A_371 = arith.addi %add3A_167, %add3A_370 : i32
      %eq3A = arith.constant 10 : i32
      %eq3A_372 = arith.cmpi eq, %add3A_371, %eq3A : i32
      %convert_element_type3A_373 = arith.extui %eq3A_372 : i1 to i32
      %cond3A_374 = arith.constant 0 : i32
      %cond3A_375 = arith.cmpi ne, %convert_element_type3A_373, %cond3A_374 : i32
      scf.if %cond3A_375 {
        %dma_start3A_484 = arith.constant 1 : i32
        %dma_start3A_485 = arith.constant 0 : i32
        %dma_start3A_486 = arith.constant 0 : i32
        %dma_start3A_487 = arith.constant 0 : i32
        %dma_start3A_488 = arith.constant 0 : i32
        %dma_start3A_489 = tpu.memref_slice %arg9[%dma_start3A_486, %dma_start3A_487, %dma_start3A_488] : memref<5x128x128xf32, #tpu.memory_space<vmem>> -> memref<1x128x128xf32, #tpu.memory_space<vmem>>
        %dma_start3A_490 = tpu.memref_squeeze %dma_start3A_489 : memref<1x128x128xf32, #tpu.memory_space<vmem>> -> memref<128x128xf32, #tpu.memory_space<vmem>>
        %dma_start3A_491 = arith.constant 0 : i32
        %dma_start3A_492 = arith.constant 0 : i32
        %dma_start3A_493 = tpu.memref_slice %arg8[%dma_start3A_484, %dma_start3A_491, %dma_start3A_492] : memref<2x50x128xi32, #tpu.memory_space<vmem>> -> memref<1x50x128xi32, #tpu.memory_space<vmem>>
        %dma_start3A_494 = tpu.memref_squeeze %dma_start3A_493 : memref<1x50x128xi32, #tpu.memory_space<vmem>> -> memref<50x128xi32, #tpu.memory_space<vmem>>
        %dma_start3A_495 = arith.constant 0 : i32
        %dma_start3A_496 = tpu.memref_slice %dma_start3A_494[%dma_start3A_485, %dma_start3A_495] : memref<50x128xi32, #tpu.memory_space<vmem>> -> memref<1x128xi32, #tpu.memory_space<vmem>>
        %dma_start3A_497 = tpu.memref_squeeze %dma_start3A_496 : memref<1x128xi32, #tpu.memory_space<vmem>> -> memref<128xi32, #tpu.memory_space<vmem>>
        %dma_start3A_498 = arith.constant 0 : i32
        %dma_start3A_499 = arith.constant 0 : i32
        %dma_start3A_500 = tpu.memref_slice %arg5[%dma_start3A_498, %dma_start3A_499] : memref<100000x128xf32, #tpu.memory_space<hbm>> -> memref<100000x128xf32, #tpu.memory_space<hbm>>
        tpu.enqueue_indirect_dma source(%dma_start3A_500 : memref<100000x128xf32, #tpu.memory_space<hbm>>) target(%dma_start3A_490 : memref<128x128xf32, #tpu.memory_space<vmem>>) offsets(%dma_start3A_497 : memref<128xi32, #tpu.memory_space<vmem>>) semaphore(%arg10 : memref<!tpu.dma_semaphore, #tpu.memory_space<semaphore_mem>>)
      } else {
      }
      %dma_wait3A_376 = arith.constant 1 : i32
      %dma_wait3A_377 = arith.constant 0 : i32
      %dma_wait3A_378 = arith.constant 0 : i32
      %dma_wait3A_379 = tpu.memref_slice %arg9[%dma_wait3A_376, %dma_wait3A_377, %dma_wait3A_378] : memref<5x128x128xf32, #tpu.memory_space<vmem>> -> memref<1x128x128xf32, #tpu.memory_space<vmem>>
      %dma_wait3A_380 = tpu.memref_squeeze %dma_wait3A_379 : memref<1x128x128xf32, #tpu.memory_space<vmem>> -> memref<128x128xf32, #tpu.memory_space<vmem>>
      %dma_wait3A_381 = arith.constant 0 : i32
      %dma_wait3A_382 = tpu.memref_slice %arg6[%mul3A_2, %dma_wait3A_381] : memref<204800x128xf32, #tpu.memory_space<hbm>> -> memref<128x128xf32, #tpu.memory_space<hbm>>
      %dma_wait3A_383 = arith.constant 0 : i32
      %dma_wait3A_384 = tpu.memref_slice %arg6[%mul3A_2, %dma_wait3A_383] : memref<204800x128xf32, #tpu.memory_space<hbm>> -> memref<128x128xf32, #tpu.memory_space<hbm>>
      %dma_wait3A_385 = arith.constant 0 : i32
      %dma_wait3A_386 = arith.constant 0 : i32
      %dma_wait3A_387 = tpu.memref_slice %arg9[%dma_wait3A_376, %dma_wait3A_385, %dma_wait3A_386] : memref<5x128x128xf32, #tpu.memory_space<vmem>> -> memref<1x128x128xf32, #tpu.memory_space<vmem>>
      %dma_wait3A_388 = tpu.memref_squeeze %dma_wait3A_387 : memref<1x128x128xf32, #tpu.memory_space<vmem>> -> memref<128x128xf32, #tpu.memory_space<vmem>>
      tpu.wait_dma2 semaphore(%arg11 : memref<!tpu.dma_semaphore, #tpu.memory_space<semaphore_mem>>) src(%dma_wait3A_388 : memref<128x128xf32, #tpu.memory_space<vmem>>) dst(%dma_wait3A_384 : memref<128x128xf32, #tpu.memory_space<hbm>>)
      %add3A_389 = arith.constant 1 : i32
      %add3A_390 = arith.addi %add3A_167, %add3A_389 : i32
      %lt3A_391 = arith.constant 10 : i32
      %lt3A_392 = arith.cmpi slt, %add3A_390, %lt3A_391 : i32
      %convert_element_type3A_393 = arith.extui %lt3A_392 : i1 to i32
      %cond3A_394 = arith.constant 0 : i32
      %cond3A_395 = arith.cmpi ne, %convert_element_type3A_393, %cond3A_394 : i32
      scf.if %cond3A_395 {
        %add3A_484 = arith.constant 1 : i32
        %add3A_485 = arith.addi %add3A_167, %add3A_484 : i32
        %mul3A_486 = arith.constant 5 : i32
        %mul3A_487 = arith.muli %add3A_485, %mul3A_486 : i32
        %add3A_488 = arith.constant 1 : i32
        %add3A_489 = arith.addi %mul3A_487, %add3A_488 : i32
        %dma_start3A_490 = arith.constant 0 : i32
        %dma_start3A_491 = arith.constant 1 : i32
        %dma_start3A_492 = arith.constant 0 : i32
        %dma_start3A_493 = arith.constant 0 : i32
        %dma_start3A_494 = tpu.memref_slice %arg9[%dma_start3A_491, %dma_start3A_492, %dma_start3A_493] : memref<5x128x128xf32, #tpu.memory_space<vmem>> -> memref<1x128x128xf32, #tpu.memory_space<vmem>>
        %dma_start3A_495 = tpu.memref_squeeze %dma_start3A_494 : memref<1x128x128xf32, #tpu.memory_space<vmem>> -> memref<128x128xf32, #tpu.memory_space<vmem>>
        %dma_start3A_496 = arith.constant 0 : i32
        %dma_start3A_497 = arith.constant 0 : i32
        %dma_start3A_498 = tpu.memref_slice %arg8[%dma_start3A_490, %dma_start3A_496, %dma_start3A_497] : memref<2x50x128xi32, #tpu.memory_space<vmem>> -> memref<1x50x128xi32, #tpu.memory_space<vmem>>
        %dma_start3A_499 = tpu.memref_squeeze %dma_start3A_498 : memref<1x50x128xi32, #tpu.memory_space<vmem>> -> memref<50x128xi32, #tpu.memory_space<vmem>>
        %dma_start3A_500 = arith.constant 0 : i32
        %dma_start3A_501 = tpu.memref_slice %dma_start3A_499[%add3A_489, %dma_start3A_500] : memref<50x128xi32, #tpu.memory_space<vmem>> -> memref<1x128xi32, #tpu.memory_space<vmem>>
        %dma_start3A_502 = tpu.memref_squeeze %dma_start3A_501 : memref<1x128xi32, #tpu.memory_space<vmem>> -> memref<128xi32, #tpu.memory_space<vmem>>
        %dma_start3A_503 = arith.constant 0 : i32
        %dma_start3A_504 = arith.constant 0 : i32
        %dma_start3A_505 = tpu.memref_slice %arg4[%dma_start3A_503, %dma_start3A_504] : memref<100000x128xf32, #tpu.memory_space<hbm>> -> memref<100000x128xf32, #tpu.memory_space<hbm>>
        tpu.enqueue_indirect_dma source(%dma_start3A_505 : memref<100000x128xf32, #tpu.memory_space<hbm>>) target(%dma_start3A_495 : memref<128x128xf32, #tpu.memory_space<vmem>>) offsets(%dma_start3A_502 : memref<128xi32, #tpu.memory_space<vmem>>) semaphore(%arg10 : memref<!tpu.dma_semaphore, #tpu.memory_space<semaphore_mem>>)
      } else {
      }
      %add3A_396 = arith.constant 1 : i32
      %add3A_397 = arith.addi %add3A_167, %add3A_396 : i32
      %eq3A_398 = arith.constant 10 : i32
      %eq3A_399 = arith.cmpi eq, %add3A_397, %eq3A_398 : i32
      %convert_element_type3A_400 = arith.extui %eq3A_399 : i1 to i32
      %cond3A_401 = arith.constant 0 : i32
      %cond3A_402 = arith.cmpi ne, %convert_element_type3A_400, %cond3A_401 : i32
      scf.if %cond3A_402 {
        %dma_start3A_484 = arith.constant 1 : i32
        %dma_start3A_485 = arith.constant 1 : i32
        %dma_start3A_486 = arith.constant 1 : i32
        %dma_start3A_487 = arith.constant 0 : i32
        %dma_start3A_488 = arith.constant 0 : i32
        %dma_start3A_489 = tpu.memref_slice %arg9[%dma_start3A_486, %dma_start3A_487, %dma_start3A_488] : memref<5x128x128xf32, #tpu.memory_space<vmem>> -> memref<1x128x128xf32, #tpu.memory_space<vmem>>
        %dma_start3A_490 = tpu.memref_squeeze %dma_start3A_489 : memref<1x128x128xf32, #tpu.memory_space<vmem>> -> memref<128x128xf32, #tpu.memory_space<vmem>>
        %dma_start3A_491 = arith.constant 0 : i32
        %dma_start3A_492 = arith.constant 0 : i32
        %dma_start3A_493 = tpu.memref_slice %arg8[%dma_start3A_484, %dma_start3A_491, %dma_start3A_492] : memref<2x50x128xi32, #tpu.memory_space<vmem>> -> memref<1x50x128xi32, #tpu.memory_space<vmem>>
        %dma_start3A_494 = tpu.memref_squeeze %dma_start3A_493 : memref<1x50x128xi32, #tpu.memory_space<vmem>> -> memref<50x128xi32, #tpu.memory_space<vmem>>
        %dma_start3A_495 = arith.constant 0 : i32
        %dma_start3A_496 = tpu.memref_slice %dma_start3A_494[%dma_start3A_485, %dma_start3A_495] : memref<50x128xi32, #tpu.memory_space<vmem>> -> memref<1x128xi32, #tpu.memory_space<vmem>>
        %dma_start3A_497 = tpu.memref_squeeze %dma_start3A_496 : memref<1x128xi32, #tpu.memory_space<vmem>> -> memref<128xi32, #tpu.memory_space<vmem>>
        %dma_start3A_498 = arith.constant 0 : i32
        %dma_start3A_499 = arith.constant 0 : i32
        %dma_start3A_500 = tpu.memref_slice %arg5[%dma_start3A_498, %dma_start3A_499] : memref<100000x128xf32, #tpu.memory_space<hbm>> -> memref<100000x128xf32, #tpu.memory_space<hbm>>
        tpu.enqueue_indirect_dma source(%dma_start3A_500 : memref<100000x128xf32, #tpu.memory_space<hbm>>) target(%dma_start3A_490 : memref<128x128xf32, #tpu.memory_space<vmem>>) offsets(%dma_start3A_497 : memref<128xi32, #tpu.memory_space<vmem>>) semaphore(%arg10 : memref<!tpu.dma_semaphore, #tpu.memory_space<semaphore_mem>>)
      } else {
      }
      %dma_wait3A_403 = arith.constant 2 : i32
      %dma_wait3A_404 = arith.constant 0 : i32
      %dma_wait3A_405 = arith.constant 0 : i32
      %dma_wait3A_406 = tpu.memref_slice %arg9[%dma_wait3A_403, %dma_wait3A_404, %dma_wait3A_405] : memref<5x128x128xf32, #tpu.memory_space<vmem>> -> memref<1x128x128xf32, #tpu.memory_space<vmem>>
      %dma_wait3A_407 = tpu.memref_squeeze %dma_wait3A_406 : memref<1x128x128xf32, #tpu.memory_space<vmem>> -> memref<128x128xf32, #tpu.memory_space<vmem>>
      %dma_wait3A_408 = arith.constant 0 : i32
      %dma_wait3A_409 = tpu.memref_slice %arg6[%mul3A_2, %dma_wait3A_408] : memref<204800x128xf32, #tpu.memory_space<hbm>> -> memref<128x128xf32, #tpu.memory_space<hbm>>
      %dma_wait3A_410 = arith.constant 0 : i32
      %dma_wait3A_411 = tpu.memref_slice %arg6[%mul3A_2, %dma_wait3A_410] : memref<204800x128xf32, #tpu.memory_space<hbm>> -> memref<128x128xf32, #tpu.memory_space<hbm>>
      %dma_wait3A_412 = arith.constant 0 : i32
      %dma_wait3A_413 = arith.constant 0 : i32
      %dma_wait3A_414 = tpu.memref_slice %arg9[%dma_wait3A_403, %dma_wait3A_412, %dma_wait3A_413] : memref<5x128x128xf32, #tpu.memory_space<vmem>> -> memref<1x128x128xf32, #tpu.memory_space<vmem>>
      %dma_wait3A_415 = tpu.memref_squeeze %dma_wait3A_414 : memref<1x128x128xf32, #tpu.memory_space<vmem>> -> memref<128x128xf32, #tpu.memory_space<vmem>>
      tpu.wait_dma2 semaphore(%arg11 : memref<!tpu.dma_semaphore, #tpu.memory_space<semaphore_mem>>) src(%dma_wait3A_415 : memref<128x128xf32, #tpu.memory_space<vmem>>) dst(%dma_wait3A_411 : memref<128x128xf32, #tpu.memory_space<hbm>>)
      %add3A_416 = arith.constant 1 : i32
      %add3A_417 = arith.addi %add3A_167, %add3A_416 : i32
      %lt3A_418 = arith.constant 10 : i32
      %lt3A_419 = arith.cmpi slt, %add3A_417, %lt3A_418 : i32
      %convert_element_type3A_420 = arith.extui %lt3A_419 : i1 to i32
      %cond3A_421 = arith.constant 0 : i32
      %cond3A_422 = arith.cmpi ne, %convert_element_type3A_420, %cond3A_421 : i32
      scf.if %cond3A_422 {
        %add3A_484 = arith.constant 1 : i32
        %add3A_485 = arith.addi %add3A_167, %add3A_484 : i32
        %mul3A_486 = arith.constant 5 : i32
        %mul3A_487 = arith.muli %add3A_485, %mul3A_486 : i32
        %add3A_488 = arith.constant 2 : i32
        %add3A_489 = arith.addi %mul3A_487, %add3A_488 : i32
        %dma_start3A_490 = arith.constant 0 : i32
        %dma_start3A_491 = arith.constant 2 : i32
        %dma_start3A_492 = arith.constant 0 : i32
        %dma_start3A_493 = arith.constant 0 : i32
        %dma_start3A_494 = tpu.memref_slice %arg9[%dma_start3A_491, %dma_start3A_492, %dma_start3A_493] : memref<5x128x128xf32, #tpu.memory_space<vmem>> -> memref<1x128x128xf32, #tpu.memory_space<vmem>>
        %dma_start3A_495 = tpu.memref_squeeze %dma_start3A_494 : memref<1x128x128xf32, #tpu.memory_space<vmem>> -> memref<128x128xf32, #tpu.memory_space<vmem>>
        %dma_start3A_496 = arith.constant 0 : i32
        %dma_start3A_497 = arith.constant 0 : i32
        %dma_start3A_498 = tpu.memref_slice %arg8[%dma_start3A_490, %dma_start3A_496, %dma_start3A_497] : memref<2x50x128xi32, #tpu.memory_space<vmem>> -> memref<1x50x128xi32, #tpu.memory_space<vmem>>
        %dma_start3A_499 = tpu.memref_squeeze %dma_start3A_498 : memref<1x50x128xi32, #tpu.memory_space<vmem>> -> memref<50x128xi32, #tpu.memory_space<vmem>>
        %dma_start3A_500 = arith.constant 0 : i32
        %dma_start3A_501 = tpu.memref_slice %dma_start3A_499[%add3A_489, %dma_start3A_500] : memref<50x128xi32, #tpu.memory_space<vmem>> -> memref<1x128xi32, #tpu.memory_space<vmem>>
        %dma_start3A_502 = tpu.memref_squeeze %dma_start3A_501 : memref<1x128xi32, #tpu.memory_space<vmem>> -> memref<128xi32, #tpu.memory_space<vmem>>
        %dma_start3A_503 = arith.constant 0 : i32
        %dma_start3A_504 = arith.constant 0 : i32
        %dma_start3A_505 = tpu.memref_slice %arg4[%dma_start3A_503, %dma_start3A_504] : memref<100000x128xf32, #tpu.memory_space<hbm>> -> memref<100000x128xf32, #tpu.memory_space<hbm>>
        tpu.enqueue_indirect_dma source(%dma_start3A_505 : memref<100000x128xf32, #tpu.memory_space<hbm>>) target(%dma_start3A_495 : memref<128x128xf32, #tpu.memory_space<vmem>>) offsets(%dma_start3A_502 : memref<128xi32, #tpu.memory_space<vmem>>) semaphore(%arg10 : memref<!tpu.dma_semaphore, #tpu.memory_space<semaphore_mem>>)
      } else {
      }
      %add3A_423 = arith.constant 1 : i32
      %add3A_424 = arith.addi %add3A_167, %add3A_423 : i32
      %eq3A_425 = arith.constant 10 : i32
      %eq3A_426 = arith.cmpi eq, %add3A_424, %eq3A_425 : i32
      %convert_element_type3A_427 = arith.extui %eq3A_426 : i1 to i32
      %cond3A_428 = arith.constant 0 : i32
      %cond3A_429 = arith.cmpi ne, %convert_element_type3A_427, %cond3A_428 : i32
      scf.if %cond3A_429 {
        %dma_start3A_484 = arith.constant 1 : i32
        %dma_start3A_485 = arith.constant 2 : i32
        %dma_start3A_486 = arith.constant 2 : i32
        %dma_start3A_487 = arith.constant 0 : i32
        %dma_start3A_488 = arith.constant 0 : i32
        %dma_start3A_489 = tpu.memref_slice %arg9[%dma_start3A_486, %dma_start3A_487, %dma_start3A_488] : memref<5x128x128xf32, #tpu.memory_space<vmem>> -> memref<1x128x128xf32, #tpu.memory_space<vmem>>
        %dma_start3A_490 = tpu.memref_squeeze %dma_start3A_489 : memref<1x128x128xf32, #tpu.memory_space<vmem>> -> memref<128x128xf32, #tpu.memory_space<vmem>>
        %dma_start3A_491 = arith.constant 0 : i32
        %dma_start3A_492 = arith.constant 0 : i32
        %dma_start3A_493 = tpu.memref_slice %arg8[%dma_start3A_484, %dma_start3A_491, %dma_start3A_492] : memref<2x50x128xi32, #tpu.memory_space<vmem>> -> memref<1x50x128xi32, #tpu.memory_space<vmem>>
        %dma_start3A_494 = tpu.memref_squeeze %dma_start3A_493 : memref<1x50x128xi32, #tpu.memory_space<vmem>> -> memref<50x128xi32, #tpu.memory_space<vmem>>
        %dma_start3A_495 = arith.constant 0 : i32
        %dma_start3A_496 = tpu.memref_slice %dma_start3A_494[%dma_start3A_485, %dma_start3A_495] : memref<50x128xi32, #tpu.memory_space<vmem>> -> memref<1x128xi32, #tpu.memory_space<vmem>>
        %dma_start3A_497 = tpu.memref_squeeze %dma_start3A_496 : memref<1x128xi32, #tpu.memory_space<vmem>> -> memref<128xi32, #tpu.memory_space<vmem>>
        %dma_start3A_498 = arith.constant 0 : i32
        %dma_start3A_499 = arith.constant 0 : i32
        %dma_start3A_500 = tpu.memref_slice %arg5[%dma_start3A_498, %dma_start3A_499] : memref<100000x128xf32, #tpu.memory_space<hbm>> -> memref<100000x128xf32, #tpu.memory_space<hbm>>
        tpu.enqueue_indirect_dma source(%dma_start3A_500 : memref<100000x128xf32, #tpu.memory_space<hbm>>) target(%dma_start3A_490 : memref<128x128xf32, #tpu.memory_space<vmem>>) offsets(%dma_start3A_497 : memref<128xi32, #tpu.memory_space<vmem>>) semaphore(%arg10 : memref<!tpu.dma_semaphore, #tpu.memory_space<semaphore_mem>>)
      } else {
      }
      %dma_wait3A_430 = arith.constant 3 : i32
      %dma_wait3A_431 = arith.constant 0 : i32
      %dma_wait3A_432 = arith.constant 0 : i32
      %dma_wait3A_433 = tpu.memref_slice %arg9[%dma_wait3A_430, %dma_wait3A_431, %dma_wait3A_432] : memref<5x128x128xf32, #tpu.memory_space<vmem>> -> memref<1x128x128xf32, #tpu.memory_space<vmem>>
      %dma_wait3A_434 = tpu.memref_squeeze %dma_wait3A_433 : memref<1x128x128xf32, #tpu.memory_space<vmem>> -> memref<128x128xf32, #tpu.memory_space<vmem>>
      %dma_wait3A_435 = arith.constant 0 : i32
      %dma_wait3A_436 = tpu.memref_slice %arg6[%mul3A_2, %dma_wait3A_435] : memref<204800x128xf32, #tpu.memory_space<hbm>> -> memref<128x128xf32, #tpu.memory_space<hbm>>
      %dma_wait3A_437 = arith.constant 0 : i32
      %dma_wait3A_438 = tpu.memref_slice %arg6[%mul3A_2, %dma_wait3A_437] : memref<204800x128xf32, #tpu.memory_space<hbm>> -> memref<128x128xf32, #tpu.memory_space<hbm>>
      %dma_wait3A_439 = arith.constant 0 : i32
      %dma_wait3A_440 = arith.constant 0 : i32
      %dma_wait3A_441 = tpu.memref_slice %arg9[%dma_wait3A_430, %dma_wait3A_439, %dma_wait3A_440] : memref<5x128x128xf32, #tpu.memory_space<vmem>> -> memref<1x128x128xf32, #tpu.memory_space<vmem>>
      %dma_wait3A_442 = tpu.memref_squeeze %dma_wait3A_441 : memref<1x128x128xf32, #tpu.memory_space<vmem>> -> memref<128x128xf32, #tpu.memory_space<vmem>>
      tpu.wait_dma2 semaphore(%arg11 : memref<!tpu.dma_semaphore, #tpu.memory_space<semaphore_mem>>) src(%dma_wait3A_442 : memref<128x128xf32, #tpu.memory_space<vmem>>) dst(%dma_wait3A_438 : memref<128x128xf32, #tpu.memory_space<hbm>>)
      %add3A_443 = arith.constant 1 : i32
      %add3A_444 = arith.addi %add3A_167, %add3A_443 : i32
      %lt3A_445 = arith.constant 10 : i32
      %lt3A_446 = arith.cmpi slt, %add3A_444, %lt3A_445 : i32
      %convert_element_type3A_447 = arith.extui %lt3A_446 : i1 to i32
      %cond3A_448 = arith.constant 0 : i32
      %cond3A_449 = arith.cmpi ne, %convert_element_type3A_447, %cond3A_448 : i32
      scf.if %cond3A_449 {
        %add3A_484 = arith.constant 1 : i32
        %add3A_485 = arith.addi %add3A_167, %add3A_484 : i32
        %mul3A_486 = arith.constant 5 : i32
        %mul3A_487 = arith.muli %add3A_485, %mul3A_486 : i32
        %add3A_488 = arith.constant 3 : i32
        %add3A_489 = arith.addi %mul3A_487, %add3A_488 : i32
        %dma_start3A_490 = arith.constant 0 : i32
        %dma_start3A_491 = arith.constant 3 : i32
        %dma_start3A_492 = arith.constant 0 : i32
        %dma_start3A_493 = arith.constant 0 : i32
        %dma_start3A_494 = tpu.memref_slice %arg9[%dma_start3A_491, %dma_start3A_492, %dma_start3A_493] : memref<5x128x128xf32, #tpu.memory_space<vmem>> -> memref<1x128x128xf32, #tpu.memory_space<vmem>>
        %dma_start3A_495 = tpu.memref_squeeze %dma_start3A_494 : memref<1x128x128xf32, #tpu.memory_space<vmem>> -> memref<128x128xf32, #tpu.memory_space<vmem>>
        %dma_start3A_496 = arith.constant 0 : i32
        %dma_start3A_497 = arith.constant 0 : i32
        %dma_start3A_498 = tpu.memref_slice %arg8[%dma_start3A_490, %dma_start3A_496, %dma_start3A_497] : memref<2x50x128xi32, #tpu.memory_space<vmem>> -> memref<1x50x128xi32, #tpu.memory_space<vmem>>
        %dma_start3A_499 = tpu.memref_squeeze %dma_start3A_498 : memref<1x50x128xi32, #tpu.memory_space<vmem>> -> memref<50x128xi32, #tpu.memory_space<vmem>>
        %dma_start3A_500 = arith.constant 0 : i32
        %dma_start3A_501 = tpu.memref_slice %dma_start3A_499[%add3A_489, %dma_start3A_500] : memref<50x128xi32, #tpu.memory_space<vmem>> -> memref<1x128xi32, #tpu.memory_space<vmem>>
        %dma_start3A_502 = tpu.memref_squeeze %dma_start3A_501 : memref<1x128xi32, #tpu.memory_space<vmem>> -> memref<128xi32, #tpu.memory_space<vmem>>
        %dma_start3A_503 = arith.constant 0 : i32
        %dma_start3A_504 = arith.constant 0 : i32
        %dma_start3A_505 = tpu.memref_slice %arg4[%dma_start3A_503, %dma_start3A_504] : memref<100000x128xf32, #tpu.memory_space<hbm>> -> memref<100000x128xf32, #tpu.memory_space<hbm>>
        tpu.enqueue_indirect_dma source(%dma_start3A_505 : memref<100000x128xf32, #tpu.memory_space<hbm>>) target(%dma_start3A_495 : memref<128x128xf32, #tpu.memory_space<vmem>>) offsets(%dma_start3A_502 : memref<128xi32, #tpu.memory_space<vmem>>) semaphore(%arg10 : memref<!tpu.dma_semaphore, #tpu.memory_space<semaphore_mem>>)
      } else {
      }
      %add3A_450 = arith.constant 1 : i32
      %add3A_451 = arith.addi %add3A_167, %add3A_450 : i32
      %eq3A_452 = arith.constant 10 : i32
      %eq3A_453 = arith.cmpi eq, %add3A_451, %eq3A_452 : i32
      %convert_element_type3A_454 = arith.extui %eq3A_453 : i1 to i32
      %cond3A_455 = arith.constant 0 : i32
      %cond3A_456 = arith.cmpi ne, %convert_element_type3A_454, %cond3A_455 : i32
      scf.if %cond3A_456 {
        %dma_start3A_484 = arith.constant 1 : i32
        %dma_start3A_485 = arith.constant 3 : i32
        %dma_start3A_486 = arith.constant 3 : i32
        %dma_start3A_487 = arith.constant 0 : i32
        %dma_start3A_488 = arith.constant 0 : i32
        %dma_start3A_489 = tpu.memref_slice %arg9[%dma_start3A_486, %dma_start3A_487, %dma_start3A_488] : memref<5x128x128xf32, #tpu.memory_space<vmem>> -> memref<1x128x128xf32, #tpu.memory_space<vmem>>
        %dma_start3A_490 = tpu.memref_squeeze %dma_start3A_489 : memref<1x128x128xf32, #tpu.memory_space<vmem>> -> memref<128x128xf32, #tpu.memory_space<vmem>>
        %dma_start3A_491 = arith.constant 0 : i32
        %dma_start3A_492 = arith.constant 0 : i32
        %dma_start3A_493 = tpu.memref_slice %arg8[%dma_start3A_484, %dma_start3A_491, %dma_start3A_492] : memref<2x50x128xi32, #tpu.memory_space<vmem>> -> memref<1x50x128xi32, #tpu.memory_space<vmem>>
        %dma_start3A_494 = tpu.memref_squeeze %dma_start3A_493 : memref<1x50x128xi32, #tpu.memory_space<vmem>> -> memref<50x128xi32, #tpu.memory_space<vmem>>
        %dma_start3A_495 = arith.constant 0 : i32
        %dma_start3A_496 = tpu.memref_slice %dma_start3A_494[%dma_start3A_485, %dma_start3A_495] : memref<50x128xi32, #tpu.memory_space<vmem>> -> memref<1x128xi32, #tpu.memory_space<vmem>>
        %dma_start3A_497 = tpu.memref_squeeze %dma_start3A_496 : memref<1x128xi32, #tpu.memory_space<vmem>> -> memref<128xi32, #tpu.memory_space<vmem>>
        %dma_start3A_498 = arith.constant 0 : i32
        %dma_start3A_499 = arith.constant 0 : i32
        %dma_start3A_500 = tpu.memref_slice %arg5[%dma_start3A_498, %dma_start3A_499] : memref<100000x128xf32, #tpu.memory_space<hbm>> -> memref<100000x128xf32, #tpu.memory_space<hbm>>
        tpu.enqueue_indirect_dma source(%dma_start3A_500 : memref<100000x128xf32, #tpu.memory_space<hbm>>) target(%dma_start3A_490 : memref<128x128xf32, #tpu.memory_space<vmem>>) offsets(%dma_start3A_497 : memref<128xi32, #tpu.memory_space<vmem>>) semaphore(%arg10 : memref<!tpu.dma_semaphore, #tpu.memory_space<semaphore_mem>>)
      } else {
      }
      %dma_wait3A_457 = arith.constant 4 : i32
      %dma_wait3A_458 = arith.constant 0 : i32
      %dma_wait3A_459 = arith.constant 0 : i32
      %dma_wait3A_460 = tpu.memref_slice %arg9[%dma_wait3A_457, %dma_wait3A_458, %dma_wait3A_459] : memref<5x128x128xf32, #tpu.memory_space<vmem>> -> memref<1x128x128xf32, #tpu.memory_space<vmem>>
      %dma_wait3A_461 = tpu.memref_squeeze %dma_wait3A_460 : memref<1x128x128xf32, #tpu.memory_space<vmem>> -> memref<128x128xf32, #tpu.memory_space<vmem>>
      %dma_wait3A_462 = arith.constant 0 : i32
      %dma_wait3A_463 = tpu.memref_slice %arg6[%mul3A_2, %dma_wait3A_462] : memref<204800x128xf32, #tpu.memory_space<hbm>> -> memref<128x128xf32, #tpu.memory_space<hbm>>
      %dma_wait3A_464 = arith.constant 0 : i32
      %dma_wait3A_465 = tpu.memref_slice %arg6[%mul3A_2, %dma_wait3A_464] : memref<204800x128xf32, #tpu.memory_space<hbm>> -> memref<128x128xf32, #tpu.memory_space<hbm>>
      %dma_wait3A_466 = arith.constant 0 : i32
      %dma_wait3A_467 = arith.constant 0 : i32
      %dma_wait3A_468 = tpu.memref_slice %arg9[%dma_wait3A_457, %dma_wait3A_466, %dma_wait3A_467] : memref<5x128x128xf32, #tpu.memory_space<vmem>> -> memref<1x128x128xf32, #tpu.memory_space<vmem>>
      %dma_wait3A_469 = tpu.memref_squeeze %dma_wait3A_468 : memref<1x128x128xf32, #tpu.memory_space<vmem>> -> memref<128x128xf32, #tpu.memory_space<vmem>>
      tpu.wait_dma2 semaphore(%arg11 : memref<!tpu.dma_semaphore, #tpu.memory_space<semaphore_mem>>) src(%dma_wait3A_469 : memref<128x128xf32, #tpu.memory_space<vmem>>) dst(%dma_wait3A_465 : memref<128x128xf32, #tpu.memory_space<hbm>>)
      %add3A_470 = arith.constant 1 : i32
      %add3A_471 = arith.addi %add3A_167, %add3A_470 : i32
      %lt3A_472 = arith.constant 10 : i32
      %lt3A_473 = arith.cmpi slt, %add3A_471, %lt3A_472 : i32
      %convert_element_type3A_474 = arith.extui %lt3A_473 : i1 to i32
      %cond3A_475 = arith.constant 0 : i32
      %cond3A_476 = arith.cmpi ne, %convert_element_type3A_474, %cond3A_475 : i32
      scf.if %cond3A_476 {
        %add3A_484 = arith.constant 1 : i32
        %add3A_485 = arith.addi %add3A_167, %add3A_484 : i32
        %mul3A_486 = arith.constant 5 : i32
        %mul3A_487 = arith.muli %add3A_485, %mul3A_486 : i32
        %add3A_488 = arith.constant 4 : i32
        %add3A_489 = arith.addi %mul3A_487, %add3A_488 : i32
        %dma_start3A_490 = arith.constant 0 : i32
        %dma_start3A_491 = arith.constant 4 : i32
        %dma_start3A_492 = arith.constant 0 : i32
        %dma_start3A_493 = arith.constant 0 : i32
        %dma_start3A_494 = tpu.memref_slice %arg9[%dma_start3A_491, %dma_start3A_492, %dma_start3A_493] : memref<5x128x128xf32, #tpu.memory_space<vmem>> -> memref<1x128x128xf32, #tpu.memory_space<vmem>>
        %dma_start3A_495 = tpu.memref_squeeze %dma_start3A_494 : memref<1x128x128xf32, #tpu.memory_space<vmem>> -> memref<128x128xf32, #tpu.memory_space<vmem>>
        %dma_start3A_496 = arith.constant 0 : i32
        %dma_start3A_497 = arith.constant 0 : i32
        %dma_start3A_498 = tpu.memref_slice %arg8[%dma_start3A_490, %dma_start3A_496, %dma_start3A_497] : memref<2x50x128xi32, #tpu.memory_space<vmem>> -> memref<1x50x128xi32, #tpu.memory_space<vmem>>
        %dma_start3A_499 = tpu.memref_squeeze %dma_start3A_498 : memref<1x50x128xi32, #tpu.memory_space<vmem>> -> memref<50x128xi32, #tpu.memory_space<vmem>>
        %dma_start3A_500 = arith.constant 0 : i32
        %dma_start3A_501 = tpu.memref_slice %dma_start3A_499[%add3A_489, %dma_start3A_500] : memref<50x128xi32, #tpu.memory_space<vmem>> -> memref<1x128xi32, #tpu.memory_space<vmem>>
        %dma_start3A_502 = tpu.memref_squeeze %dma_start3A_501 : memref<1x128xi32, #tpu.memory_space<vmem>> -> memref<128xi32, #tpu.memory_space<vmem>>
        %dma_start3A_503 = arith.constant 0 : i32
        %dma_start3A_504 = arith.constant 0 : i32
        %dma_start3A_505 = tpu.memref_slice %arg4[%dma_start3A_503, %dma_start3A_504] : memref<100000x128xf32, #tpu.memory_space<hbm>> -> memref<100000x128xf32, #tpu.memory_space<hbm>>
        tpu.enqueue_indirect_dma source(%dma_start3A_505 : memref<100000x128xf32, #tpu.memory_space<hbm>>) target(%dma_start3A_495 : memref<128x128xf32, #tpu.memory_space<vmem>>) offsets(%dma_start3A_502 : memref<128xi32, #tpu.memory_space<vmem>>) semaphore(%arg10 : memref<!tpu.dma_semaphore, #tpu.memory_space<semaphore_mem>>)
      } else {
      }
      %add3A_477 = arith.constant 1 : i32
      %add3A_478 = arith.addi %add3A_167, %add3A_477 : i32
      %eq3A_479 = arith.constant 10 : i32
      %eq3A_480 = arith.cmpi eq, %add3A_478, %eq3A_479 : i32
      %convert_element_type3A_481 = arith.extui %eq3A_480 : i1 to i32
      %cond3A_482 = arith.constant 0 : i32
      %cond3A_483 = arith.cmpi ne, %convert_element_type3A_481, %cond3A_482 : i32
      scf.if %cond3A_483 {
        %dma_start3A_484 = arith.constant 1 : i32
        %dma_start3A_485 = arith.constant 4 : i32
        %dma_start3A_486 = arith.constant 4 : i32
        %dma_start3A_487 = arith.constant 0 : i32
        %dma_start3A_488 = arith.constant 0 : i32
        %dma_start3A_489 = tpu.memref_slice %arg9[%dma_start3A_486, %dma_start3A_487, %dma_start3A_488] : memref<5x128x128xf32, #tpu.memory_space<vmem>> -> memref<1x128x128xf32, #tpu.memory_space<vmem>>
        %dma_start3A_490 = tpu.memref_squeeze %dma_start3A_489 : memref<1x128x128xf32, #tpu.memory_space<vmem>> -> memref<128x128xf32, #tpu.memory_space<vmem>>
        %dma_start3A_491 = arith.constant 0 : i32
        %dma_start3A_492 = arith.constant 0 : i32
        %dma_start3A_493 = tpu.memref_slice %arg8[%dma_start3A_484, %dma_start3A_491, %dma_start3A_492] : memref<2x50x128xi32, #tpu.memory_space<vmem>> -> memref<1x50x128xi32, #tpu.memory_space<vmem>>
        %dma_start3A_494 = tpu.memref_squeeze %dma_start3A_493 : memref<1x50x128xi32, #tpu.memory_space<vmem>> -> memref<50x128xi32, #tpu.memory_space<vmem>>
        %dma_start3A_495 = arith.constant 0 : i32
        %dma_start3A_496 = tpu.memref_slice %dma_start3A_494[%dma_start3A_485, %dma_start3A_495] : memref<50x128xi32, #tpu.memory_space<vmem>> -> memref<1x128xi32, #tpu.memory_space<vmem>>
        %dma_start3A_497 = tpu.memref_squeeze %dma_start3A_496 : memref<1x128xi32, #tpu.memory_space<vmem>> -> memref<128xi32, #tpu.memory_space<vmem>>
        %dma_start3A_498 = arith.constant 0 : i32
        %dma_start3A_499 = arith.constant 0 : i32
        %dma_start3A_500 = tpu.memref_slice %arg5[%dma_start3A_498, %dma_start3A_499] : memref<100000x128xf32, #tpu.memory_space<hbm>> -> memref<100000x128xf32, #tpu.memory_space<hbm>>
        tpu.enqueue_indirect_dma source(%dma_start3A_500 : memref<100000x128xf32, #tpu.memory_space<hbm>>) target(%dma_start3A_490 : memref<128x128xf32, #tpu.memory_space<vmem>>) offsets(%dma_start3A_497 : memref<128xi32, #tpu.memory_space<vmem>>) semaphore(%arg10 : memref<!tpu.dma_semaphore, #tpu.memory_space<semaphore_mem>>)
      } else {
      }
    }
    %scan3A_157 = arith.constant 10 : i32
    %scan3A_158 = arith.constant 0 : i32
    %scan3A_159 = arith.constant 10 : i32
    %scan3A_160 = arith.addi %scan3A_158, %scan3A_159 : i32
    %scan3A_161 = arith.constant 1 : i32
    scf.for %scan3A_163 = %scan3A_158 to %scan3A_160 step %scan3A_161  : i32 {
      %mul3A_164 = arith.constant 1 : i32
      %mul3A_165 = arith.muli %scan3A_163, %mul3A_164 : i32
      %add3A_166 = arith.constant 0 : i32
      %add3A_167 = arith.addi %add3A_166, %mul3A_165 : i32
      %mul3A_168 = arith.constant 5 : i32
      %mul3A_169 = arith.muli %add3A_167, %mul3A_168 : i32
      %add3A_170 = arith.constant 0 : i32
      %add3A_171 = arith.addi %mul3A_169, %add3A_170 : i32
      %dma_wait3A_172 = arith.constant 1 : i32
      %dma_wait3A_173 = arith.constant 0 : i32
      %dma_wait3A_174 = arith.constant 0 : i32
      %dma_wait3A_175 = arith.constant 0 : i32
      %dma_wait3A_176 = arith.constant 0 : i32
      %dma_wait3A_177 = tpu.memref_slice %arg9[%dma_wait3A_174, %dma_wait3A_175, %dma_wait3A_176] : memref<5x128x128xf32, #tpu.memory_space<vmem>> -> memref<1x128x128xf32, #tpu.memory_space<vmem>>
      %dma_wait3A_178 = tpu.memref_squeeze %dma_wait3A_177 : memref<1x128x128xf32, #tpu.memory_space<vmem>> -> memref<128x128xf32, #tpu.memory_space<vmem>>
      %dma_wait3A_179 = arith.constant 0 : i32
      %dma_wait3A_180 = arith.constant 0 : i32
      %dma_wait3A_181 = tpu.memref_slice %arg8[%dma_wait3A_172, %dma_wait3A_179, %dma_wait3A_180] : memref<2x50x128xi32, #tpu.memory_space<vmem>> -> memref<1x50x128xi32, #tpu.memory_space<vmem>>
      %dma_wait3A_182 = tpu.memref_squeeze %dma_wait3A_181 : memref<1x50x128xi32, #tpu.memory_space<vmem>> -> memref<50x128xi32, #tpu.memory_space<vmem>>
      %dma_wait3A_183 = arith.constant 0 : i32
      %dma_wait3A_184 = tpu.memref_slice %dma_wait3A_182[%dma_wait3A_173, %dma_wait3A_183] : memref<50x128xi32, #tpu.memory_space<vmem>> -> memref<1x128xi32, #tpu.memory_space<vmem>>
      %dma_wait3A_185 = tpu.memref_squeeze %dma_wait3A_184 : memref<1x128xi32, #tpu.memory_space<vmem>> -> memref<128xi32, #tpu.memory_space<vmem>>
      %dma_wait3A_186 = arith.constant 0 : i32
      %dma_wait3A_187 = arith.constant 0 : i32
      %dma_wait3A_188 = tpu.memref_slice %arg5[%dma_wait3A_186, %dma_wait3A_187] : memref<100000x128xf32, #tpu.memory_space<hbm>> -> memref<100000x128xf32, #tpu.memory_space<hbm>>
      tpu.wait_indirect_dma semaphore(%arg10 : memref<!tpu.dma_semaphore, #tpu.memory_space<semaphore_mem>>) src(%dma_wait3A_188 : memref<100000x128xf32, #tpu.memory_space<hbm>>) dst(%dma_wait3A_178 : memref<128x128xf32, #tpu.memory_space<vmem>>)
      %mul3A_189 = arith.constant 128 : i32
      %mul3A_190 = arith.muli %add3A_171, %mul3A_189 : i32
      %add3A_191 = arith.addi %mul3A_2, %mul3A_190 : i32
      %dma_start3A_192 = arith.constant 0 : i32
      %dma_start3A_193 = arith.constant 0 : i32
      %dma_start3A_194 = arith.constant 0 : i32
      %dma_start3A_195 = tpu.memref_slice %arg9[%dma_start3A_192, %dma_start3A_193, %dma_start3A_194] : memref<5x128x128xf32, #tpu.memory_space<vmem>> -> memref<1x128x128xf32, #tpu.memory_space<vmem>>
      %dma_start3A_196 = tpu.memref_squeeze %dma_start3A_195 : memref<1x128x128xf32, #tpu.memory_space<vmem>> -> memref<128x128xf32, #tpu.memory_space<vmem>>
      %dma_start3A_197 = arith.constant 0 : i32
      %dma_start3A_198 = tpu.memref_slice %arg7[%add3A_191, %dma_start3A_197] : memref<204800x128xf32, #tpu.memory_space<hbm>> -> memref<128x128xf32, #tpu.memory_space<hbm>>
      %dma_start3A_199 = arith.constant 0 : i32
      %dma_start3A_200 = tpu.memref_slice %arg7[%add3A_191, %dma_start3A_199] : memref<204800x128xf32, #tpu.memory_space<hbm>> -> memref<128x128xf32, #tpu.memory_space<hbm>>
      %dma_start3A_201 = arith.constant 0 : i32
      %dma_start3A_202 = arith.constant 0 : i32
      %dma_start3A_203 = tpu.memref_slice %arg9[%dma_start3A_192, %dma_start3A_201, %dma_start3A_202] : memref<5x128x128xf32, #tpu.memory_space<vmem>> -> memref<1x128x128xf32, #tpu.memory_space<vmem>>
      %dma_start3A_204 = tpu.memref_squeeze %dma_start3A_203 : memref<1x128x128xf32, #tpu.memory_space<vmem>> -> memref<128x128xf32, #tpu.memory_space<vmem>>
      tpu.enqueue_dma source(%dma_start3A_204 : memref<128x128xf32, #tpu.memory_space<vmem>>) target(%dma_start3A_200 : memref<128x128xf32, #tpu.memory_space<hbm>>) target_semaphore(%arg11 : memref<!tpu.dma_semaphore, #tpu.memory_space<semaphore_mem>>)
      %mul3A_205 = arith.constant 5 : i32
      %mul3A_206 = arith.muli %add3A_167, %mul3A_205 : i32
      %add3A_207 = arith.constant 1 : i32
      %add3A_208 = arith.addi %mul3A_206, %add3A_207 : i32
      %dma_wait3A_209 = arith.constant 1 : i32
      %dma_wait3A_210 = arith.constant 1 : i32
      %dma_wait3A_211 = arith.constant 1 : i32
      %dma_wait3A_212 = arith.constant 0 : i32
      %dma_wait3A_213 = arith.constant 0 : i32
      %dma_wait3A_214 = tpu.memref_slice %arg9[%dma_wait3A_211, %dma_wait3A_212, %dma_wait3A_213] : memref<5x128x128xf32, #tpu.memory_space<vmem>> -> memref<1x128x128xf32, #tpu.memory_space<vmem>>
      %dma_wait3A_215 = tpu.memref_squeeze %dma_wait3A_214 : memref<1x128x128xf32, #tpu.memory_space<vmem>> -> memref<128x128xf32, #tpu.memory_space<vmem>>
      %dma_wait3A_216 = arith.constant 0 : i32
      %dma_wait3A_217 = arith.constant 0 : i32
      %dma_wait3A_218 = tpu.memref_slice %arg8[%dma_wait3A_209, %dma_wait3A_216, %dma_wait3A_217] : memref<2x50x128xi32, #tpu.memory_space<vmem>> -> memref<1x50x128xi32, #tpu.memory_space<vmem>>
      %dma_wait3A_219 = tpu.memref_squeeze %dma_wait3A_218 : memref<1x50x128xi32, #tpu.memory_space<vmem>> -> memref<50x128xi32, #tpu.memory_space<vmem>>
      %dma_wait3A_220 = arith.constant 0 : i32
      %dma_wait3A_221 = tpu.memref_slice %dma_wait3A_219[%dma_wait3A_210, %dma_wait3A_220] : memref<50x128xi32, #tpu.memory_space<vmem>> -> memref<1x128xi32, #tpu.memory_space<vmem>>
      %dma_wait3A_222 = tpu.memref_squeeze %dma_wait3A_221 : memref<1x128xi32, #tpu.memory_space<vmem>> -> memref<128xi32, #tpu.memory_space<vmem>>
      %dma_wait3A_223 = arith.constant 0 : i32
      %dma_wait3A_224 = arith.constant 0 : i32
      %dma_wait3A_225 = tpu.memref_slice %arg5[%dma_wait3A_223, %dma_wait3A_224] : memref<100000x128xf32, #tpu.memory_space<hbm>> -> memref<100000x128xf32, #tpu.memory_space<hbm>>
      tpu.wait_indirect_dma semaphore(%arg10 : memref<!tpu.dma_semaphore, #tpu.memory_space<semaphore_mem>>) src(%dma_wait3A_225 : memref<100000x128xf32, #tpu.memory_space<hbm>>) dst(%dma_wait3A_215 : memref<128x128xf32, #tpu.memory_space<vmem>>)
      %mul3A_226 = arith.constant 128 : i32
      %mul3A_227 = arith.muli %add3A_208, %mul3A_226 : i32
      %add3A_228 = arith.addi %mul3A_2, %mul3A_227 : i32
      %dma_start3A_229 = arith.constant 1 : i32
      %dma_start3A_230 = arith.constant 0 : i32
      %dma_start3A_231 = arith.constant 0 : i32
      %dma_start3A_232 = tpu.memref_slice %arg9[%dma_start3A_229, %dma_start3A_230, %dma_start3A_231] : memref<5x128x128xf32, #tpu.memory_space<vmem>> -> memref<1x128x128xf32, #tpu.memory_space<vmem>>
      %dma_start3A_233 = tpu.memref_squeeze %dma_start3A_232 : memref<1x128x128xf32, #tpu.memory_space<vmem>> -> memref<128x128xf32, #tpu.memory_space<vmem>>
      %dma_start3A_234 = arith.constant 0 : i32
      %dma_start3A_235 = tpu.memref_slice %arg7[%add3A_228, %dma_start3A_234] : memref<204800x128xf32, #tpu.memory_space<hbm>> -> memref<128x128xf32, #tpu.memory_space<hbm>>
      %dma_start3A_236 = arith.constant 0 : i32
      %dma_start3A_237 = tpu.memref_slice %arg7[%add3A_228, %dma_start3A_236] : memref<204800x128xf32, #tpu.memory_space<hbm>> -> memref<128x128xf32, #tpu.memory_space<hbm>>
      %dma_start3A_238 = arith.constant 0 : i32
      %dma_start3A_239 = arith.constant 0 : i32
      %dma_start3A_240 = tpu.memref_slice %arg9[%dma_start3A_229, %dma_start3A_238, %dma_start3A_239] : memref<5x128x128xf32, #tpu.memory_space<vmem>> -> memref<1x128x128xf32, #tpu.memory_space<vmem>>
      %dma_start3A_241 = tpu.memref_squeeze %dma_start3A_240 : memref<1x128x128xf32, #tpu.memory_space<vmem>> -> memref<128x128xf32, #tpu.memory_space<vmem>>
      tpu.enqueue_dma source(%dma_start3A_241 : memref<128x128xf32, #tpu.memory_space<vmem>>) target(%dma_start3A_237 : memref<128x128xf32, #tpu.memory_space<hbm>>) target_semaphore(%arg11 : memref<!tpu.dma_semaphore, #tpu.memory_space<semaphore_mem>>)
      %mul3A_242 = arith.constant 5 : i32
      %mul3A_243 = arith.muli %add3A_167, %mul3A_242 : i32
      %add3A_244 = arith.constant 2 : i32
      %add3A_245 = arith.addi %mul3A_243, %add3A_244 : i32
      %dma_wait3A_246 = arith.constant 1 : i32
      %dma_wait3A_247 = arith.constant 2 : i32
      %dma_wait3A_248 = arith.constant 2 : i32
      %dma_wait3A_249 = arith.constant 0 : i32
      %dma_wait3A_250 = arith.constant 0 : i32
      %dma_wait3A_251 = tpu.memref_slice %arg9[%dma_wait3A_248, %dma_wait3A_249, %dma_wait3A_250] : memref<5x128x128xf32, #tpu.memory_space<vmem>> -> memref<1x128x128xf32, #tpu.memory_space<vmem>>
      %dma_wait3A_252 = tpu.memref_squeeze %dma_wait3A_251 : memref<1x128x128xf32, #tpu.memory_space<vmem>> -> memref<128x128xf32, #tpu.memory_space<vmem>>
      %dma_wait3A_253 = arith.constant 0 : i32
      %dma_wait3A_254 = arith.constant 0 : i32
      %dma_wait3A_255 = tpu.memref_slice %arg8[%dma_wait3A_246, %dma_wait3A_253, %dma_wait3A_254] : memref<2x50x128xi32, #tpu.memory_space<vmem>> -> memref<1x50x128xi32, #tpu.memory_space<vmem>>
      %dma_wait3A_256 = tpu.memref_squeeze %dma_wait3A_255 : memref<1x50x128xi32, #tpu.memory_space<vmem>> -> memref<50x128xi32, #tpu.memory_space<vmem>>
      %dma_wait3A_257 = arith.constant 0 : i32
      %dma_wait3A_258 = tpu.memref_slice %dma_wait3A_256[%dma_wait3A_247, %dma_wait3A_257] : memref<50x128xi32, #tpu.memory_space<vmem>> -> memref<1x128xi32, #tpu.memory_space<vmem>>
      %dma_wait3A_259 = tpu.memref_squeeze %dma_wait3A_258 : memref<1x128xi32, #tpu.memory_space<vmem>> -> memref<128xi32, #tpu.memory_space<vmem>>
      %dma_wait3A_260 = arith.constant 0 : i32
      %dma_wait3A_261 = arith.constant 0 : i32
      %dma_wait3A_262 = tpu.memref_slice %arg5[%dma_wait3A_260, %dma_wait3A_261] : memref<100000x128xf32, #tpu.memory_space<hbm>> -> memref<100000x128xf32, #tpu.memory_space<hbm>>
      tpu.wait_indirect_dma semaphore(%arg10 : memref<!tpu.dma_semaphore, #tpu.memory_space<semaphore_mem>>) src(%dma_wait3A_262 : memref<100000x128xf32, #tpu.memory_space<hbm>>) dst(%dma_wait3A_252 : memref<128x128xf32, #tpu.memory_space<vmem>>)
      %mul3A_263 = arith.constant 128 : i32
      %mul3A_264 = arith.muli %add3A_245, %mul3A_263 : i32
      %add3A_265 = arith.addi %mul3A_2, %mul3A_264 : i32
      %dma_start3A_266 = arith.constant 2 : i32
      %dma_start3A_267 = arith.constant 0 : i32
      %dma_start3A_268 = arith.constant 0 : i32
      %dma_start3A_269 = tpu.memref_slice %arg9[%dma_start3A_266, %dma_start3A_267, %dma_start3A_268] : memref<5x128x128xf32, #tpu.memory_space<vmem>> -> memref<1x128x128xf32, #tpu.memory_space<vmem>>
      %dma_start3A_270 = tpu.memref_squeeze %dma_start3A_269 : memref<1x128x128xf32, #tpu.memory_space<vmem>> -> memref<128x128xf32, #tpu.memory_space<vmem>>
      %dma_start3A_271 = arith.constant 0 : i32
      %dma_start3A_272 = tpu.memref_slice %arg7[%add3A_265, %dma_start3A_271] : memref<204800x128xf32, #tpu.memory_space<hbm>> -> memref<128x128xf32, #tpu.memory_space<hbm>>
      %dma_start3A_273 = arith.constant 0 : i32
      %dma_start3A_274 = tpu.memref_slice %arg7[%add3A_265, %dma_start3A_273] : memref<204800x128xf32, #tpu.memory_space<hbm>> -> memref<128x128xf32, #tpu.memory_space<hbm>>
      %dma_start3A_275 = arith.constant 0 : i32
      %dma_start3A_276 = arith.constant 0 : i32
      %dma_start3A_277 = tpu.memref_slice %arg9[%dma_start3A_266, %dma_start3A_275, %dma_start3A_276] : memref<5x128x128xf32, #tpu.memory_space<vmem>> -> memref<1x128x128xf32, #tpu.memory_space<vmem>>
      %dma_start3A_278 = tpu.memref_squeeze %dma_start3A_277 : memref<1x128x128xf32, #tpu.memory_space<vmem>> -> memref<128x128xf32, #tpu.memory_space<vmem>>
      tpu.enqueue_dma source(%dma_start3A_278 : memref<128x128xf32, #tpu.memory_space<vmem>>) target(%dma_start3A_274 : memref<128x128xf32, #tpu.memory_space<hbm>>) target_semaphore(%arg11 : memref<!tpu.dma_semaphore, #tpu.memory_space<semaphore_mem>>)
      %mul3A_279 = arith.constant 5 : i32
      %mul3A_280 = arith.muli %add3A_167, %mul3A_279 : i32
      %add3A_281 = arith.constant 3 : i32
      %add3A_282 = arith.addi %mul3A_280, %add3A_281 : i32
      %dma_wait3A_283 = arith.constant 1 : i32
      %dma_wait3A_284 = arith.constant 3 : i32
      %dma_wait3A_285 = arith.constant 3 : i32
      %dma_wait3A_286 = arith.constant 0 : i32
      %dma_wait3A_287 = arith.constant 0 : i32
      %dma_wait3A_288 = tpu.memref_slice %arg9[%dma_wait3A_285, %dma_wait3A_286, %dma_wait3A_287] : memref<5x128x128xf32, #tpu.memory_space<vmem>> -> memref<1x128x128xf32, #tpu.memory_space<vmem>>
      %dma_wait3A_289 = tpu.memref_squeeze %dma_wait3A_288 : memref<1x128x128xf32, #tpu.memory_space<vmem>> -> memref<128x128xf32, #tpu.memory_space<vmem>>
      %dma_wait3A_290 = arith.constant 0 : i32
      %dma_wait3A_291 = arith.constant 0 : i32
      %dma_wait3A_292 = tpu.memref_slice %arg8[%dma_wait3A_283, %dma_wait3A_290, %dma_wait3A_291] : memref<2x50x128xi32, #tpu.memory_space<vmem>> -> memref<1x50x128xi32, #tpu.memory_space<vmem>>
      %dma_wait3A_293 = tpu.memref_squeeze %dma_wait3A_292 : memref<1x50x128xi32, #tpu.memory_space<vmem>> -> memref<50x128xi32, #tpu.memory_space<vmem>>
      %dma_wait3A_294 = arith.constant 0 : i32
      %dma_wait3A_295 = tpu.memref_slice %dma_wait3A_293[%dma_wait3A_284, %dma_wait3A_294] : memref<50x128xi32, #tpu.memory_space<vmem>> -> memref<1x128xi32, #tpu.memory_space<vmem>>
      %dma_wait3A_296 = tpu.memref_squeeze %dma_wait3A_295 : memref<1x128xi32, #tpu.memory_space<vmem>> -> memref<128xi32, #tpu.memory_space<vmem>>
      %dma_wait3A_297 = arith.constant 0 : i32
      %dma_wait3A_298 = arith.constant 0 : i32
      %dma_wait3A_299 = tpu.memref_slice %arg5[%dma_wait3A_297, %dma_wait3A_298] : memref<100000x128xf32, #tpu.memory_space<hbm>> -> memref<100000x128xf32, #tpu.memory_space<hbm>>
      tpu.wait_indirect_dma semaphore(%arg10 : memref<!tpu.dma_semaphore, #tpu.memory_space<semaphore_mem>>) src(%dma_wait3A_299 : memref<100000x128xf32, #tpu.memory_space<hbm>>) dst(%dma_wait3A_289 : memref<128x128xf32, #tpu.memory_space<vmem>>)
      %mul3A_300 = arith.constant 128 : i32
      %mul3A_301 = arith.muli %add3A_282, %mul3A_300 : i32
      %add3A_302 = arith.addi %mul3A_2, %mul3A_301 : i32
      %dma_start3A_303 = arith.constant 3 : i32
      %dma_start3A_304 = arith.constant 0 : i32
      %dma_start3A_305 = arith.constant 0 : i32
      %dma_start3A_306 = tpu.memref_slice %arg9[%dma_start3A_303, %dma_start3A_304, %dma_start3A_305] : memref<5x128x128xf32, #tpu.memory_space<vmem>> -> memref<1x128x128xf32, #tpu.memory_space<vmem>>
      %dma_start3A_307 = tpu.memref_squeeze %dma_start3A_306 : memref<1x128x128xf32, #tpu.memory_space<vmem>> -> memref<128x128xf32, #tpu.memory_space<vmem>>
      %dma_start3A_308 = arith.constant 0 : i32
      %dma_start3A_309 = tpu.memref_slice %arg7[%add3A_302, %dma_start3A_308] : memref<204800x128xf32, #tpu.memory_space<hbm>> -> memref<128x128xf32, #tpu.memory_space<hbm>>
      %dma_start3A_310 = arith.constant 0 : i32
      %dma_start3A_311 = tpu.memref_slice %arg7[%add3A_302, %dma_start3A_310] : memref<204800x128xf32, #tpu.memory_space<hbm>> -> memref<128x128xf32, #tpu.memory_space<hbm>>
      %dma_start3A_312 = arith.constant 0 : i32
      %dma_start3A_313 = arith.constant 0 : i32
      %dma_start3A_314 = tpu.memref_slice %arg9[%dma_start3A_303, %dma_start3A_312, %dma_start3A_313] : memref<5x128x128xf32, #tpu.memory_space<vmem>> -> memref<1x128x128xf32, #tpu.memory_space<vmem>>
      %dma_start3A_315 = tpu.memref_squeeze %dma_start3A_314 : memref<1x128x128xf32, #tpu.memory_space<vmem>> -> memref<128x128xf32, #tpu.memory_space<vmem>>
      tpu.enqueue_dma source(%dma_start3A_315 : memref<128x128xf32, #tpu.memory_space<vmem>>) target(%dma_start3A_311 : memref<128x128xf32, #tpu.memory_space<hbm>>) target_semaphore(%arg11 : memref<!tpu.dma_semaphore, #tpu.memory_space<semaphore_mem>>)
      %mul3A_316 = arith.constant 5 : i32
      %mul3A_317 = arith.muli %add3A_167, %mul3A_316 : i32
      %add3A_318 = arith.constant 4 : i32
      %add3A_319 = arith.addi %mul3A_317, %add3A_318 : i32
      %dma_wait3A_320 = arith.constant 1 : i32
      %dma_wait3A_321 = arith.constant 4 : i32
      %dma_wait3A_322 = arith.constant 4 : i32
      %dma_wait3A_323 = arith.constant 0 : i32
      %dma_wait3A_324 = arith.constant 0 : i32
      %dma_wait3A_325 = tpu.memref_slice %arg9[%dma_wait3A_322, %dma_wait3A_323, %dma_wait3A_324] : memref<5x128x128xf32, #tpu.memory_space<vmem>> -> memref<1x128x128xf32, #tpu.memory_space<vmem>>
      %dma_wait3A_326 = tpu.memref_squeeze %dma_wait3A_325 : memref<1x128x128xf32, #tpu.memory_space<vmem>> -> memref<128x128xf32, #tpu.memory_space<vmem>>
      %dma_wait3A_327 = arith.constant 0 : i32
      %dma_wait3A_328 = arith.constant 0 : i32
      %dma_wait3A_329 = tpu.memref_slice %arg8[%dma_wait3A_320, %dma_wait3A_327, %dma_wait3A_328] : memref<2x50x128xi32, #tpu.memory_space<vmem>> -> memref<1x50x128xi32, #tpu.memory_space<vmem>>
      %dma_wait3A_330 = tpu.memref_squeeze %dma_wait3A_329 : memref<1x50x128xi32, #tpu.memory_space<vmem>> -> memref<50x128xi32, #tpu.memory_space<vmem>>
      %dma_wait3A_331 = arith.constant 0 : i32
      %dma_wait3A_332 = tpu.memref_slice %dma_wait3A_330[%dma_wait3A_321, %dma_wait3A_331] : memref<50x128xi32, #tpu.memory_space<vmem>> -> memref<1x128xi32, #tpu.memory_space<vmem>>
      %dma_wait3A_333 = tpu.memref_squeeze %dma_wait3A_332 : memref<1x128xi32, #tpu.memory_space<vmem>> -> memref<128xi32, #tpu.memory_space<vmem>>
      %dma_wait3A_334 = arith.constant 0 : i32
      %dma_wait3A_335 = arith.constant 0 : i32
      %dma_wait3A_336 = tpu.memref_slice %arg5[%dma_wait3A_334, %dma_wait3A_335] : memref<100000x128xf32, #tpu.memory_space<hbm>> -> memref<100000x128xf32, #tpu.memory_space<hbm>>
      tpu.wait_indirect_dma semaphore(%arg10 : memref<!tpu.dma_semaphore, #tpu.memory_space<semaphore_mem>>) src(%dma_wait3A_336 : memref<100000x128xf32, #tpu.memory_space<hbm>>) dst(%dma_wait3A_326 : memref<128x128xf32, #tpu.memory_space<vmem>>)
      %mul3A_337 = arith.constant 128 : i32
      %mul3A_338 = arith.muli %add3A_319, %mul3A_337 : i32
      %add3A_339 = arith.addi %mul3A_2, %mul3A_338 : i32
      %dma_start3A_340 = arith.constant 4 : i32
      %dma_start3A_341 = arith.constant 0 : i32
      %dma_start3A_342 = arith.constant 0 : i32
      %dma_start3A_343 = tpu.memref_slice %arg9[%dma_start3A_340, %dma_start3A_341, %dma_start3A_342] : memref<5x128x128xf32, #tpu.memory_space<vmem>> -> memref<1x128x128xf32, #tpu.memory_space<vmem>>
      %dma_start3A_344 = tpu.memref_squeeze %dma_start3A_343 : memref<1x128x128xf32, #tpu.memory_space<vmem>> -> memref<128x128xf32, #tpu.memory_space<vmem>>
      %dma_start3A_345 = arith.constant 0 : i32
      %dma_start3A_346 = tpu.memref_slice %arg7[%add3A_339, %dma_start3A_345] : memref<204800x128xf32, #tpu.memory_space<hbm>> -> memref<128x128xf32, #tpu.memory_space<hbm>>
      %dma_start3A_347 = arith.constant 0 : i32
      %dma_start3A_348 = tpu.memref_slice %arg7[%add3A_339, %dma_start3A_347] : memref<204800x128xf32, #tpu.memory_space<hbm>> -> memref<128x128xf32, #tpu.memory_space<hbm>>
      %dma_start3A_349 = arith.constant 0 : i32
      %dma_start3A_350 = arith.constant 0 : i32
      %dma_start3A_351 = tpu.memref_slice %arg9[%dma_start3A_340, %dma_start3A_349, %dma_start3A_350] : memref<5x128x128xf32, #tpu.memory_space<vmem>> -> memref<1x128x128xf32, #tpu.memory_space<vmem>>
      %dma_start3A_352 = tpu.memref_squeeze %dma_start3A_351 : memref<1x128x128xf32, #tpu.memory_space<vmem>> -> memref<128x128xf32, #tpu.memory_space<vmem>>
      tpu.enqueue_dma source(%dma_start3A_352 : memref<128x128xf32, #tpu.memory_space<vmem>>) target(%dma_start3A_348 : memref<128x128xf32, #tpu.memory_space<hbm>>) target_semaphore(%arg11 : memref<!tpu.dma_semaphore, #tpu.memory_space<semaphore_mem>>)
      %dma_wait3A_353 = arith.constant 0 : i32
      %dma_wait3A_354 = arith.constant 0 : i32
      %dma_wait3A_355 = arith.constant 0 : i32
      %dma_wait3A_356 = tpu.memref_slice %arg9[%dma_wait3A_353, %dma_wait3A_354, %dma_wait3A_355] : memref<5x128x128xf32, #tpu.memory_space<vmem>> -> memref<1x128x128xf32, #tpu.memory_space<vmem>>
      %dma_wait3A_357 = tpu.memref_squeeze %dma_wait3A_356 : memref<1x128x128xf32, #tpu.memory_space<vmem>> -> memref<128x128xf32, #tpu.memory_space<vmem>>
      %dma_wait3A_358 = arith.constant 0 : i32
      %dma_wait3A_359 = tpu.memref_slice %arg7[%mul3A_2, %dma_wait3A_358] : memref<204800x128xf32, #tpu.memory_space<hbm>> -> memref<128x128xf32, #tpu.memory_space<hbm>>
      %dma_wait3A_360 = arith.constant 0 : i32
      %dma_wait3A_361 = tpu.memref_slice %arg7[%mul3A_2, %dma_wait3A_360] : memref<204800x128xf32, #tpu.memory_space<hbm>> -> memref<128x128xf32, #tpu.memory_space<hbm>>
      %dma_wait3A_362 = arith.constant 0 : i32
      %dma_wait3A_363 = arith.constant 0 : i32
      %dma_wait3A_364 = tpu.memref_slice %arg9[%dma_wait3A_353, %dma_wait3A_362, %dma_wait3A_363] : memref<5x128x128xf32, #tpu.memory_space<vmem>> -> memref<1x128x128xf32, #tpu.memory_space<vmem>>
      %dma_wait3A_365 = tpu.memref_squeeze %dma_wait3A_364 : memref<1x128x128xf32, #tpu.memory_space<vmem>> -> memref<128x128xf32, #tpu.memory_space<vmem>>
      tpu.wait_dma2 semaphore(%arg11 : memref<!tpu.dma_semaphore, #tpu.memory_space<semaphore_mem>>) src(%dma_wait3A_365 : memref<128x128xf32, #tpu.memory_space<vmem>>) dst(%dma_wait3A_361 : memref<128x128xf32, #tpu.memory_space<hbm>>)
      %add3A_366 = arith.constant 1 : i32
      %add3A_367 = arith.addi %add3A_167, %add3A_366 : i32
      %lt3A = arith.constant 10 : i32
      %lt3A_368 = arith.cmpi slt, %add3A_367, %lt3A : i32
      %convert_element_type3A = arith.extui %lt3A_368 : i1 to i32
      %cond3A = arith.constant 0 : i32
      %cond3A_369 = arith.cmpi ne, %convert_element_type3A, %cond3A : i32
      scf.if %cond3A_369 {
        %add3A_450 = arith.constant 1 : i32
        %add3A_451 = arith.addi %add3A_167, %add3A_450 : i32
        %mul3A_452 = arith.constant 5 : i32
        %mul3A_453 = arith.muli %add3A_451, %mul3A_452 : i32
        %add3A_454 = arith.constant 0 : i32
        %add3A_455 = arith.addi %mul3A_453, %add3A_454 : i32
        %dma_start3A_456 = arith.constant 1 : i32
        %dma_start3A_457 = arith.constant 0 : i32
        %dma_start3A_458 = arith.constant 0 : i32
        %dma_start3A_459 = arith.constant 0 : i32
        %dma_start3A_460 = tpu.memref_slice %arg9[%dma_start3A_457, %dma_start3A_458, %dma_start3A_459] : memref<5x128x128xf32, #tpu.memory_space<vmem>> -> memref<1x128x128xf32, #tpu.memory_space<vmem>>
        %dma_start3A_461 = tpu.memref_squeeze %dma_start3A_460 : memref<1x128x128xf32, #tpu.memory_space<vmem>> -> memref<128x128xf32, #tpu.memory_space<vmem>>
        %dma_start3A_462 = arith.constant 0 : i32
        %dma_start3A_463 = arith.constant 0 : i32
        %dma_start3A_464 = tpu.memref_slice %arg8[%dma_start3A_456, %dma_start3A_462, %dma_start3A_463] : memref<2x50x128xi32, #tpu.memory_space<vmem>> -> memref<1x50x128xi32, #tpu.memory_space<vmem>>
        %dma_start3A_465 = tpu.memref_squeeze %dma_start3A_464 : memref<1x50x128xi32, #tpu.memory_space<vmem>> -> memref<50x128xi32, #tpu.memory_space<vmem>>
        %dma_start3A_466 = arith.constant 0 : i32
        %dma_start3A_467 = tpu.memref_slice %dma_start3A_465[%add3A_455, %dma_start3A_466] : memref<50x128xi32, #tpu.memory_space<vmem>> -> memref<1x128xi32, #tpu.memory_space<vmem>>
        %dma_start3A_468 = tpu.memref_squeeze %dma_start3A_467 : memref<1x128xi32, #tpu.memory_space<vmem>> -> memref<128xi32, #tpu.memory_space<vmem>>
        %dma_start3A_469 = arith.constant 0 : i32
        %dma_start3A_470 = arith.constant 0 : i32
        %dma_start3A_471 = tpu.memref_slice %arg5[%dma_start3A_469, %dma_start3A_470] : memref<100000x128xf32, #tpu.memory_space<hbm>> -> memref<100000x128xf32, #tpu.memory_space<hbm>>
        tpu.enqueue_indirect_dma source(%dma_start3A_471 : memref<100000x128xf32, #tpu.memory_space<hbm>>) target(%dma_start3A_461 : memref<128x128xf32, #tpu.memory_space<vmem>>) offsets(%dma_start3A_468 : memref<128xi32, #tpu.memory_space<vmem>>) semaphore(%arg10 : memref<!tpu.dma_semaphore, #tpu.memory_space<semaphore_mem>>)
      } else {
      }
      %dma_wait3A_370 = arith.constant 1 : i32
      %dma_wait3A_371 = arith.constant 0 : i32
      %dma_wait3A_372 = arith.constant 0 : i32
      %dma_wait3A_373 = tpu.memref_slice %arg9[%dma_wait3A_370, %dma_wait3A_371, %dma_wait3A_372] : memref<5x128x128xf32, #tpu.memory_space<vmem>> -> memref<1x128x128xf32, #tpu.memory_space<vmem>>
      %dma_wait3A_374 = tpu.memref_squeeze %dma_wait3A_373 : memref<1x128x128xf32, #tpu.memory_space<vmem>> -> memref<128x128xf32, #tpu.memory_space<vmem>>
      %dma_wait3A_375 = arith.constant 0 : i32
      %dma_wait3A_376 = tpu.memref_slice %arg7[%mul3A_2, %dma_wait3A_375] : memref<204800x128xf32, #tpu.memory_space<hbm>> -> memref<128x128xf32, #tpu.memory_space<hbm>>
      %dma_wait3A_377 = arith.constant 0 : i32
      %dma_wait3A_378 = tpu.memref_slice %arg7[%mul3A_2, %dma_wait3A_377] : memref<204800x128xf32, #tpu.memory_space<hbm>> -> memref<128x128xf32, #tpu.memory_space<hbm>>
      %dma_wait3A_379 = arith.constant 0 : i32
      %dma_wait3A_380 = arith.constant 0 : i32
      %dma_wait3A_381 = tpu.memref_slice %arg9[%dma_wait3A_370, %dma_wait3A_379, %dma_wait3A_380] : memref<5x128x128xf32, #tpu.memory_space<vmem>> -> memref<1x128x128xf32, #tpu.memory_space<vmem>>
      %dma_wait3A_382 = tpu.memref_squeeze %dma_wait3A_381 : memref<1x128x128xf32, #tpu.memory_space<vmem>> -> memref<128x128xf32, #tpu.memory_space<vmem>>
      tpu.wait_dma2 semaphore(%arg11 : memref<!tpu.dma_semaphore, #tpu.memory_space<semaphore_mem>>) src(%dma_wait3A_382 : memref<128x128xf32, #tpu.memory_space<vmem>>) dst(%dma_wait3A_378 : memref<128x128xf32, #tpu.memory_space<hbm>>)
      %add3A_383 = arith.constant 1 : i32
      %add3A_384 = arith.addi %add3A_167, %add3A_383 : i32
      %lt3A_385 = arith.constant 10 : i32
      %lt3A_386 = arith.cmpi slt, %add3A_384, %lt3A_385 : i32
      %convert_element_type3A_387 = arith.extui %lt3A_386 : i1 to i32
      %cond3A_388 = arith.constant 0 : i32
      %cond3A_389 = arith.cmpi ne, %convert_element_type3A_387, %cond3A_388 : i32
      scf.if %cond3A_389 {
        %add3A_450 = arith.constant 1 : i32
        %add3A_451 = arith.addi %add3A_167, %add3A_450 : i32
        %mul3A_452 = arith.constant 5 : i32
        %mul3A_453 = arith.muli %add3A_451, %mul3A_452 : i32
        %add3A_454 = arith.constant 1 : i32
        %add3A_455 = arith.addi %mul3A_453, %add3A_454 : i32
        %dma_start3A_456 = arith.constant 1 : i32
        %dma_start3A_457 = arith.constant 1 : i32
        %dma_start3A_458 = arith.constant 0 : i32
        %dma_start3A_459 = arith.constant 0 : i32
        %dma_start3A_460 = tpu.memref_slice %arg9[%dma_start3A_457, %dma_start3A_458, %dma_start3A_459] : memref<5x128x128xf32, #tpu.memory_space<vmem>> -> memref<1x128x128xf32, #tpu.memory_space<vmem>>
        %dma_start3A_461 = tpu.memref_squeeze %dma_start3A_460 : memref<1x128x128xf32, #tpu.memory_space<vmem>> -> memref<128x128xf32, #tpu.memory_space<vmem>>
        %dma_start3A_462 = arith.constant 0 : i32
        %dma_start3A_463 = arith.constant 0 : i32
        %dma_start3A_464 = tpu.memref_slice %arg8[%dma_start3A_456, %dma_start3A_462, %dma_start3A_463] : memref<2x50x128xi32, #tpu.memory_space<vmem>> -> memref<1x50x128xi32, #tpu.memory_space<vmem>>
        %dma_start3A_465 = tpu.memref_squeeze %dma_start3A_464 : memref<1x50x128xi32, #tpu.memory_space<vmem>> -> memref<50x128xi32, #tpu.memory_space<vmem>>
        %dma_start3A_466 = arith.constant 0 : i32
        %dma_start3A_467 = tpu.memref_slice %dma_start3A_465[%add3A_455, %dma_start3A_466] : memref<50x128xi32, #tpu.memory_space<vmem>> -> memref<1x128xi32, #tpu.memory_space<vmem>>
        %dma_start3A_468 = tpu.memref_squeeze %dma_start3A_467 : memref<1x128xi32, #tpu.memory_space<vmem>> -> memref<128xi32, #tpu.memory_space<vmem>>
        %dma_start3A_469 = arith.constant 0 : i32
        %dma_start3A_470 = arith.constant 0 : i32
        %dma_start3A_471 = tpu.memref_slice %arg5[%dma_start3A_469, %dma_start3A_470] : memref<100000x128xf32, #tpu.memory_space<hbm>> -> memref<100000x128xf32, #tpu.memory_space<hbm>>
        tpu.enqueue_indirect_dma source(%dma_start3A_471 : memref<100000x128xf32, #tpu.memory_space<hbm>>) target(%dma_start3A_461 : memref<128x128xf32, #tpu.memory_space<vmem>>) offsets(%dma_start3A_468 : memref<128xi32, #tpu.memory_space<vmem>>) semaphore(%arg10 : memref<!tpu.dma_semaphore, #tpu.memory_space<semaphore_mem>>)
      } else {
      }
      %dma_wait3A_390 = arith.constant 2 : i32
      %dma_wait3A_391 = arith.constant 0 : i32
      %dma_wait3A_392 = arith.constant 0 : i32
      %dma_wait3A_393 = tpu.memref_slice %arg9[%dma_wait3A_390, %dma_wait3A_391, %dma_wait3A_392] : memref<5x128x128xf32, #tpu.memory_space<vmem>> -> memref<1x128x128xf32, #tpu.memory_space<vmem>>
      %dma_wait3A_394 = tpu.memref_squeeze %dma_wait3A_393 : memref<1x128x128xf32, #tpu.memory_space<vmem>> -> memref<128x128xf32, #tpu.memory_space<vmem>>
      %dma_wait3A_395 = arith.constant 0 : i32
      %dma_wait3A_396 = tpu.memref_slice %arg7[%mul3A_2, %dma_wait3A_395] : memref<204800x128xf32, #tpu.memory_space<hbm>> -> memref<128x128xf32, #tpu.memory_space<hbm>>
      %dma_wait3A_397 = arith.constant 0 : i32
      %dma_wait3A_398 = tpu.memref_slice %arg7[%mul3A_2, %dma_wait3A_397] : memref<204800x128xf32, #tpu.memory_space<hbm>> -> memref<128x128xf32, #tpu.memory_space<hbm>>
      %dma_wait3A_399 = arith.constant 0 : i32
      %dma_wait3A_400 = arith.constant 0 : i32
      %dma_wait3A_401 = tpu.memref_slice %arg9[%dma_wait3A_390, %dma_wait3A_399, %dma_wait3A_400] : memref<5x128x128xf32, #tpu.memory_space<vmem>> -> memref<1x128x128xf32, #tpu.memory_space<vmem>>
      %dma_wait3A_402 = tpu.memref_squeeze %dma_wait3A_401 : memref<1x128x128xf32, #tpu.memory_space<vmem>> -> memref<128x128xf32, #tpu.memory_space<vmem>>
      tpu.wait_dma2 semaphore(%arg11 : memref<!tpu.dma_semaphore, #tpu.memory_space<semaphore_mem>>) src(%dma_wait3A_402 : memref<128x128xf32, #tpu.memory_space<vmem>>) dst(%dma_wait3A_398 : memref<128x128xf32, #tpu.memory_space<hbm>>)
      %add3A_403 = arith.constant 1 : i32
      %add3A_404 = arith.addi %add3A_167, %add3A_403 : i32
      %lt3A_405 = arith.constant 10 : i32
      %lt3A_406 = arith.cmpi slt, %add3A_404, %lt3A_405 : i32
      %convert_element_type3A_407 = arith.extui %lt3A_406 : i1 to i32
      %cond3A_408 = arith.constant 0 : i32
      %cond3A_409 = arith.cmpi ne, %convert_element_type3A_407, %cond3A_408 : i32
      scf.if %cond3A_409 {
        %add3A_450 = arith.constant 1 : i32
        %add3A_451 = arith.addi %add3A_167, %add3A_450 : i32
        %mul3A_452 = arith.constant 5 : i32
        %mul3A_453 = arith.muli %add3A_451, %mul3A_452 : i32
        %add3A_454 = arith.constant 2 : i32
        %add3A_455 = arith.addi %mul3A_453, %add3A_454 : i32
        %dma_start3A_456 = arith.constant 1 : i32
        %dma_start3A_457 = arith.constant 2 : i32
        %dma_start3A_458 = arith.constant 0 : i32
        %dma_start3A_459 = arith.constant 0 : i32
        %dma_start3A_460 = tpu.memref_slice %arg9[%dma_start3A_457, %dma_start3A_458, %dma_start3A_459] : memref<5x128x128xf32, #tpu.memory_space<vmem>> -> memref<1x128x128xf32, #tpu.memory_space<vmem>>
        %dma_start3A_461 = tpu.memref_squeeze %dma_start3A_460 : memref<1x128x128xf32, #tpu.memory_space<vmem>> -> memref<128x128xf32, #tpu.memory_space<vmem>>
        %dma_start3A_462 = arith.constant 0 : i32
        %dma_start3A_463 = arith.constant 0 : i32
        %dma_start3A_464 = tpu.memref_slice %arg8[%dma_start3A_456, %dma_start3A_462, %dma_start3A_463] : memref<2x50x128xi32, #tpu.memory_space<vmem>> -> memref<1x50x128xi32, #tpu.memory_space<vmem>>
        %dma_start3A_465 = tpu.memref_squeeze %dma_start3A_464 : memref<1x50x128xi32, #tpu.memory_space<vmem>> -> memref<50x128xi32, #tpu.memory_space<vmem>>
        %dma_start3A_466 = arith.constant 0 : i32
        %dma_start3A_467 = tpu.memref_slice %dma_start3A_465[%add3A_455, %dma_start3A_466] : memref<50x128xi32, #tpu.memory_space<vmem>> -> memref<1x128xi32, #tpu.memory_space<vmem>>
        %dma_start3A_468 = tpu.memref_squeeze %dma_start3A_467 : memref<1x128xi32, #tpu.memory_space<vmem>> -> memref<128xi32, #tpu.memory_space<vmem>>
        %dma_start3A_469 = arith.constant 0 : i32
        %dma_start3A_470 = arith.constant 0 : i32
        %dma_start3A_471 = tpu.memref_slice %arg5[%dma_start3A_469, %dma_start3A_470] : memref<100000x128xf32, #tpu.memory_space<hbm>> -> memref<100000x128xf32, #tpu.memory_space<hbm>>
        tpu.enqueue_indirect_dma source(%dma_start3A_471 : memref<100000x128xf32, #tpu.memory_space<hbm>>) target(%dma_start3A_461 : memref<128x128xf32, #tpu.memory_space<vmem>>) offsets(%dma_start3A_468 : memref<128xi32, #tpu.memory_space<vmem>>) semaphore(%arg10 : memref<!tpu.dma_semaphore, #tpu.memory_space<semaphore_mem>>)
      } else {
      }
      %dma_wait3A_410 = arith.constant 3 : i32
      %dma_wait3A_411 = arith.constant 0 : i32
      %dma_wait3A_412 = arith.constant 0 : i32
      %dma_wait3A_413 = tpu.memref_slice %arg9[%dma_wait3A_410, %dma_wait3A_411, %dma_wait3A_412] : memref<5x128x128xf32, #tpu.memory_space<vmem>> -> memref<1x128x128xf32, #tpu.memory_space<vmem>>
      %dma_wait3A_414 = tpu.memref_squeeze %dma_wait3A_413 : memref<1x128x128xf32, #tpu.memory_space<vmem>> -> memref<128x128xf32, #tpu.memory_space<vmem>>
      %dma_wait3A_415 = arith.constant 0 : i32
      %dma_wait3A_416 = tpu.memref_slice %arg7[%mul3A_2, %dma_wait3A_415] : memref<204800x128xf32, #tpu.memory_space<hbm>> -> memref<128x128xf32, #tpu.memory_space<hbm>>
      %dma_wait3A_417 = arith.constant 0 : i32
      %dma_wait3A_418 = tpu.memref_slice %arg7[%mul3A_2, %dma_wait3A_417] : memref<204800x128xf32, #tpu.memory_space<hbm>> -> memref<128x128xf32, #tpu.memory_space<hbm>>
      %dma_wait3A_419 = arith.constant 0 : i32
      %dma_wait3A_420 = arith.constant 0 : i32
      %dma_wait3A_421 = tpu.memref_slice %arg9[%dma_wait3A_410, %dma_wait3A_419, %dma_wait3A_420] : memref<5x128x128xf32, #tpu.memory_space<vmem>> -> memref<1x128x128xf32, #tpu.memory_space<vmem>>
      %dma_wait3A_422 = tpu.memref_squeeze %dma_wait3A_421 : memref<1x128x128xf32, #tpu.memory_space<vmem>> -> memref<128x128xf32, #tpu.memory_space<vmem>>
      tpu.wait_dma2 semaphore(%arg11 : memref<!tpu.dma_semaphore, #tpu.memory_space<semaphore_mem>>) src(%dma_wait3A_422 : memref<128x128xf32, #tpu.memory_space<vmem>>) dst(%dma_wait3A_418 : memref<128x128xf32, #tpu.memory_space<hbm>>)
      %add3A_423 = arith.constant 1 : i32
      %add3A_424 = arith.addi %add3A_167, %add3A_423 : i32
      %lt3A_425 = arith.constant 10 : i32
      %lt3A_426 = arith.cmpi slt, %add3A_424, %lt3A_425 : i32
      %convert_element_type3A_427 = arith.extui %lt3A_426 : i1 to i32
      %cond3A_428 = arith.constant 0 : i32
      %cond3A_429 = arith.cmpi ne, %convert_element_type3A_427, %cond3A_428 : i32
      scf.if %cond3A_429 {
        %add3A_450 = arith.constant 1 : i32
        %add3A_451 = arith.addi %add3A_167, %add3A_450 : i32
        %mul3A_452 = arith.constant 5 : i32
        %mul3A_453 = arith.muli %add3A_451, %mul3A_452 : i32
        %add3A_454 = arith.constant 3 : i32
        %add3A_455 = arith.addi %mul3A_453, %add3A_454 : i32
        %dma_start3A_456 = arith.constant 1 : i32
        %dma_start3A_457 = arith.constant 3 : i32
        %dma_start3A_458 = arith.constant 0 : i32
        %dma_start3A_459 = arith.constant 0 : i32
        %dma_start3A_460 = tpu.memref_slice %arg9[%dma_start3A_457, %dma_start3A_458, %dma_start3A_459] : memref<5x128x128xf32, #tpu.memory_space<vmem>> -> memref<1x128x128xf32, #tpu.memory_space<vmem>>
        %dma_start3A_461 = tpu.memref_squeeze %dma_start3A_460 : memref<1x128x128xf32, #tpu.memory_space<vmem>> -> memref<128x128xf32, #tpu.memory_space<vmem>>
        %dma_start3A_462 = arith.constant 0 : i32
        %dma_start3A_463 = arith.constant 0 : i32
        %dma_start3A_464 = tpu.memref_slice %arg8[%dma_start3A_456, %dma_start3A_462, %dma_start3A_463] : memref<2x50x128xi32, #tpu.memory_space<vmem>> -> memref<1x50x128xi32, #tpu.memory_space<vmem>>
        %dma_start3A_465 = tpu.memref_squeeze %dma_start3A_464 : memref<1x50x128xi32, #tpu.memory_space<vmem>> -> memref<50x128xi32, #tpu.memory_space<vmem>>
        %dma_start3A_466 = arith.constant 0 : i32
        %dma_start3A_467 = tpu.memref_slice %dma_start3A_465[%add3A_455, %dma_start3A_466] : memref<50x128xi32, #tpu.memory_space<vmem>> -> memref<1x128xi32, #tpu.memory_space<vmem>>
        %dma_start3A_468 = tpu.memref_squeeze %dma_start3A_467 : memref<1x128xi32, #tpu.memory_space<vmem>> -> memref<128xi32, #tpu.memory_space<vmem>>
        %dma_start3A_469 = arith.constant 0 : i32
        %dma_start3A_470 = arith.constant 0 : i32
        %dma_start3A_471 = tpu.memref_slice %arg5[%dma_start3A_469, %dma_start3A_470] : memref<100000x128xf32, #tpu.memory_space<hbm>> -> memref<100000x128xf32, #tpu.memory_space<hbm>>
        tpu.enqueue_indirect_dma source(%dma_start3A_471 : memref<100000x128xf32, #tpu.memory_space<hbm>>) target(%dma_start3A_461 : memref<128x128xf32, #tpu.memory_space<vmem>>) offsets(%dma_start3A_468 : memref<128xi32, #tpu.memory_space<vmem>>) semaphore(%arg10 : memref<!tpu.dma_semaphore, #tpu.memory_space<semaphore_mem>>)
      } else {
      }
      %dma_wait3A_430 = arith.constant 4 : i32
      %dma_wait3A_431 = arith.constant 0 : i32
      %dma_wait3A_432 = arith.constant 0 : i32
      %dma_wait3A_433 = tpu.memref_slice %arg9[%dma_wait3A_430, %dma_wait3A_431, %dma_wait3A_432] : memref<5x128x128xf32, #tpu.memory_space<vmem>> -> memref<1x128x128xf32, #tpu.memory_space<vmem>>
      %dma_wait3A_434 = tpu.memref_squeeze %dma_wait3A_433 : memref<1x128x128xf32, #tpu.memory_space<vmem>> -> memref<128x128xf32, #tpu.memory_space<vmem>>
      %dma_wait3A_435 = arith.constant 0 : i32
      %dma_wait3A_436 = tpu.memref_slice %arg7[%mul3A_2, %dma_wait3A_435] : memref<204800x128xf32, #tpu.memory_space<hbm>> -> memref<128x128xf32, #tpu.memory_space<hbm>>
      %dma_wait3A_437 = arith.constant 0 : i32
      %dma_wait3A_438 = tpu.memref_slice %arg7[%mul3A_2, %dma_wait3A_437] : memref<204800x128xf32, #tpu.memory_space<hbm>> -> memref<128x128xf32, #tpu.memory_space<hbm>>
      %dma_wait3A_439 = arith.constant 0 : i32
      %dma_wait3A_440 = arith.constant 0 : i32
      %dma_wait3A_441 = tpu.memref_slice %arg9[%dma_wait3A_430, %dma_wait3A_439, %dma_wait3A_440] : memref<5x128x128xf32, #tpu.memory_space<vmem>> -> memref<1x128x128xf32, #tpu.memory_space<vmem>>
      %dma_wait3A_442 = tpu.memref_squeeze %dma_wait3A_441 : memref<1x128x128xf32, #tpu.memory_space<vmem>> -> memref<128x128xf32, #tpu.memory_space<vmem>>
      tpu.wait_dma2 semaphore(%arg11 : memref<!tpu.dma_semaphore, #tpu.memory_space<semaphore_mem>>) src(%dma_wait3A_442 : memref<128x128xf32, #tpu.memory_space<vmem>>) dst(%dma_wait3A_438 : memref<128x128xf32, #tpu.memory_space<hbm>>)
      %add3A_443 = arith.constant 1 : i32
      %add3A_444 = arith.addi %add3A_167, %add3A_443 : i32
      %lt3A_445 = arith.constant 10 : i32
      %lt3A_446 = arith.cmpi slt, %add3A_444, %lt3A_445 : i32
      %convert_element_type3A_447 = arith.extui %lt3A_446 : i1 to i32
      %cond3A_448 = arith.constant 0 : i32
      %cond3A_449 = arith.cmpi ne, %convert_element_type3A_447, %cond3A_448 : i32
      scf.if %cond3A_449 {
        %add3A_450 = arith.constant 1 : i32
        %add3A_451 = arith.addi %add3A_167, %add3A_450 : i32
        %mul3A_452 = arith.constant 5 : i32
        %mul3A_453 = arith.muli %add3A_451, %mul3A_452 : i32
        %add3A_454 = arith.constant 4 : i32
        %add3A_455 = arith.addi %mul3A_453, %add3A_454 : i32
        %dma_start3A_456 = arith.constant 1 : i32
        %dma_start3A_457 = arith.constant 4 : i32
        %dma_start3A_458 = arith.constant 0 : i32
        %dma_start3A_459 = arith.constant 0 : i32
        %dma_start3A_460 = tpu.memref_slice %arg9[%dma_start3A_457, %dma_start3A_458, %dma_start3A_459] : memref<5x128x128xf32, #tpu.memory_space<vmem>> -> memref<1x128x128xf32, #tpu.memory_space<vmem>>
        %dma_start3A_461 = tpu.memref_squeeze %dma_start3A_460 : memref<1x128x128xf32, #tpu.memory_space<vmem>> -> memref<128x128xf32, #tpu.memory_space<vmem>>
        %dma_start3A_462 = arith.constant 0 : i32
        %dma_start3A_463 = arith.constant 0 : i32
        %dma_start3A_464 = tpu.memref_slice %arg8[%dma_start3A_456, %dma_start3A_462, %dma_start3A_463] : memref<2x50x128xi32, #tpu.memory_space<vmem>> -> memref<1x50x128xi32, #tpu.memory_space<vmem>>
        %dma_start3A_465 = tpu.memref_squeeze %dma_start3A_464 : memref<1x50x128xi32, #tpu.memory_space<vmem>> -> memref<50x128xi32, #tpu.memory_space<vmem>>
        %dma_start3A_466 = arith.constant 0 : i32
        %dma_start3A_467 = tpu.memref_slice %dma_start3A_465[%add3A_455, %dma_start3A_466] : memref<50x128xi32, #tpu.memory_space<vmem>> -> memref<1x128xi32, #tpu.memory_space<vmem>>
        %dma_start3A_468 = tpu.memref_squeeze %dma_start3A_467 : memref<1x128xi32, #tpu.memory_space<vmem>> -> memref<128xi32, #tpu.memory_space<vmem>>
        %dma_start3A_469 = arith.constant 0 : i32
        %dma_start3A_470 = arith.constant 0 : i32
        %dma_start3A_471 = tpu.memref_slice %arg5[%dma_start3A_469, %dma_start3A_470] : memref<100000x128xf32, #tpu.memory_space<hbm>> -> memref<100000x128xf32, #tpu.memory_space<hbm>>
        tpu.enqueue_indirect_dma source(%dma_start3A_471 : memref<100000x128xf32, #tpu.memory_space<hbm>>) target(%dma_start3A_461 : memref<128x128xf32, #tpu.memory_space<vmem>>) offsets(%dma_start3A_468 : memref<128xi32, #tpu.memory_space<vmem>>) semaphore(%arg10 : memref<!tpu.dma_semaphore, #tpu.memory_space<semaphore_mem>>)
      } else {
      }
    }
    %scan3A_162 = arith.constant 10 : i32
    return
  }
}

</mosaic_0001>

<sc_bundles>
// kernel: kernel.3.cloned.1.call-start
scs
__scs_entry_jumppad:
0x0: {  	(pc) =	sbr.rel $0x88, $3  }
0x1: {  	(tag) =	ssettag $0x0;
	lr =	simm.s32 $0x1  }
0x2: {  	[smem:$0x3F9D] =	sst lr;
	_ =	strace $0xD0000000  }
0x3: {  	_ = 	snop  }
0x4: {  	_ = 	snop  }
0x5: {  	_ = 	snop  }
0x6: {  	_ = 	snop  }
0x7: {  	_ = 	snop  }
__scs_overlays_trampoline_lowered:
0x8: {  	[smem:$0x3FAC] =	sst s0  }
0x9: {  	[smem:$0x3FAD] =	sst s1  }
0xa: {  	[smem:$0x3FAE] =	sst s2  }
0xb: {  	[smem:$0x3FAF] =	sst s3  }
0xc: {  	[smem:$0x3FB0] =	sst s4  }
0xd: {  	[smem:$0x3FB1] =	sst s5  }
0xe: {  	[smem:$0x3FB2] =	sst s6  }
0xf: {  	[smem:$0x3FB3] =	sst s7  }
0x10: {  	[smem:$0x3FB4] =	sst s8  }
0x11: {  	[smem:$0x3FB5] =	sst s9;
	s0 =	simm.s32 @!p0 $0x0  }
0x12: {  	s1 =	sld [smem:$0x3F9B];
	s0 =	simm.s32 @p0 $0x1  }
0x13: {  	[smem:$0x3FB6] =	sst s0;
	s0 =	simm.s32 @!p1 $0x0  }
0x14: {  	s2 =	sld [smem:$0x3F9A];
	s0 =	simm.s32 @p1 $0x1  }
0x15: {  	[smem:$0x3FB7] =	sst s0;
	s0 =	simm.s32 @!p2 $0x0  }
0x16: {  	s3 =	sld [smem:$0x3FDB];
	s0 =	simm.s32 @p2 $0x1  }
0x17: {  	s4 =	simm.s32 $0x1BF5;
	[smem:$0x3FB9] =	sst s0  }
0x18: {  	s0 =	sld [smem:$0x3F9C];
	_ =	swait.ge [sflag:s4], $0x0  }
0x19: {  	s7 =	sld [smem:$0x3F9D]  }
0x1a: {  	s8 =	sadd.s32 $0xFFFFE003, lr  }
0x1b: {  	s9 =	sadd.s32 $0xFFFFFEF7, lr;
	s5 =	simm.s32 $0xFFFFFFFF;
	p2 =	slt.u32 s8, $0xFFFFF086  }
0x1c: {  	p1 =	slt.u32 s9, $0xF7A;
	s5 =	simm.s32 @!p2 $0x0  }
0x1d: {  	s5 =	simm.s32 @p1 $0x1;
	p0 =	seq.s32 s7, s2  }
0x1e: {  	s7 =	smul.u32 @!p0 $0xF7A, s2;
	p2 =	seq.s32 @!p0 s5, $0x0  }
0x1f: {  	s9 =	smul.u32 $0xF7A, s1;
	s8 =	simm.s32 @!p0 $0x1BF5;
	p2 =	por !p2, p0  }
0x20: {  	[sflag:s8] =	ssyncset.s32 @!p0 $0xFFFFF086;
	s6 =	sadd.s32 @!p0 s3, s7;
	s7 =	simm.s32 @!p0 $0x108  }
0x21: {  	s3 =	sadd.s32 s3, s9;
	s6 =	sadd.s32 @!p0 $0x88, s6;
	s7 =	simm.s32 @p2 $0x1082  }
0x22: {  	[simem:s7], [sflag:s8] =	dma.local @!p0 [hbm:s6], $0xF7A  }
0x23: {  	s9 =	sor.u32 $0xD0000000, s2;
	s6 =	simm.s32 $0x108;
	_ =	swait.ge @!p0 [sflag:s8], $0x0  }
0x24: {  	s3 =	sadd.s32 $0x88, s3;
	s6 =	simm.s32 @!p1 $0x1082;
	[sflag:s4] =	ssyncset.s32 $0xFFFFF086  }
0x25: {  	[simem:s6], [sflag:s4] =	dma.local [hbm:s3], $0xF7A  }
0x26: {  	[smem:$0x3F9D] =	sst s1;
	(tag) =	ssettag s2;
	_ =	strace s9  }
0x27: {  	s1 =	sld [smem:$0x3FAD]  }
0x28: {  	s2 =	sld [smem:$0x3FAE]  }
0x29: {  	s4 =	sld [smem:$0x3FB0]  }
0x2a: {  	p0 =	seq.s32 s5, $0x0;
	s5 =	sld [smem:$0x3FB1]  }
0x2b: {  	s6 =	sld [smem:$0x3FB2]  }
0x2c: {  	s7 =	sld [smem:$0x3FB3]  }
0x2d: {  	s3 =	simm.s32 $0x108;
	s8 =	sld [smem:$0x3FB4]  }
0x2e: {  	s3 =	simm.s32 @!p0 $0x1082;
	s9 =	sld [smem:$0x3FB5]  }
0x2f: {  	lr =	sadd.s32 s0, s3;
	s0 =	sld [smem:$0x3FAC]  }
0x30: {  	s3 =	sld [smem:$0x3FAF]  }
0x31: {  	[smem:$0x3FB8] =	sst s10  }
0x32: {  	s10 =	sld [smem:$0x3FB6];
	_ =	sdelay $0x3  }
0x33: {  	p0 =	seq.s32 s10, $0x1;
	s10 =	sld [smem:$0x3FB8];
	_ =	sdelay $0x3  }
0x34: {  	[smem:$0x3FB8] =	sst s10  }
0x35: {  	s10 =	sld [smem:$0x3FB7];
	_ =	sdelay $0x3  }
0x36: {  	p1 =	seq.s32 s10, $0x1;
	s10 =	sld [smem:$0x3FB8];
	_ =	sdelay $0x3  }
0x37: {  	[smem:$0x3FB8] =	sst s10  }
0x38: {  	s10 =	sld [smem:$0x3FB9]  }
0x39: {  	_ = 	snop;
	(pc) =	sbr.ind lr, $3  }
0x3a: {  	_ = 	snop  }
0x3b: {  	_ = 	snop  }
0x3c: {  	p2 =	seq.s32 s10, $0x1;
	s10 =	sld [smem:$0x3FB8]  }
0x3d: {  	_ =	shalt  }
0x3e: {  	_ =	shalt  }
0x3f: {  	_ =	shalt  }
0x40: {  	_ =	shalt  }
0x41: {  	_ =	shalt  }
0x42: {  	_ =	shalt  }
0x43: {  	_ =	shalt  }
0x44: {  	_ =	shalt  }
0x45: {  	_ =	shalt  }
0x46: {  	_ =	shalt  }
0x47: {  	_ =	shalt  }
0x48: {  	_ =	shalt  }
0x49: {  	_ =	shalt  }
0x4a: {  	_ =	shalt  }
0x4b: {  	_ =	shalt  }
0x4c: {  	_ =	shalt  }
0x4d: {  	_ =	shalt  }
0x4e: {  	_ =	shalt  }
0x4f: {  	_ =	shalt  }
0x50: {  	_ =	shalt  }
0x51: {  	_ =	shalt  }
0x52: {  	_ =	shalt  }
0x53: {  	_ =	shalt  }
0x54: {  	_ =	shalt  }
0x55: {  	_ =	shalt  }
0x56: {  	_ =	shalt  }
0x57: {  	_ =	shalt  }
0x58: {  	_ =	shalt  }
0x59: {  	_ =	shalt  }
0x5a: {  	_ =	shalt  }
0x5b: {  	_ =	shalt  }
0x5c: {  	_ =	shalt  }
0x5d: {  	_ =	shalt  }
0x5e: {  	_ =	shalt  }
0x5f: {  	_ =	shalt  }
0x60: {  	_ =	shalt  }
0x61: {  	_ =	shalt  }
0x62: {  	_ =	shalt  }
0x63: {  	_ =	shalt  }
0x64: {  	_ =	shalt  }
0x65: {  	_ =	shalt  }
0x66: {  	_ =	shalt  }
0x67: {  	_ =	shalt  }
0x68: {  	_ =	shalt  }
0x69: {  	_ =	shalt  }
0x6a: {  	_ =	shalt  }
0x6b: {  	_ =	shalt  }
0x6c: {  	_ =	shalt  }
0x6d: {  	_ =	shalt  }
0x6e: {  	_ =	shalt  }
0x6f: {  	_ =	shalt  }
0x70: {  	_ =	shalt  }
0x71: {  	_ =	shalt  }
0x72: {  	_ =	shalt  }
0x73: {  	_ =	shalt  }
0x74: {  	_ =	shalt  }
0x75: {  	_ =	shalt  }
0x76: {  	_ =	shalt  }
0x77: {  	_ =	shalt  }
0x78: {  	_ =	shalt  }
0x79: {  	_ =	shalt  }
0x7a: {  	_ =	shalt  }
0x7b: {  	_ =	shalt  }
0x7c: {  	_ =	shalt  }
0x7d: {  	_ =	shalt  }
0x7e: {  	_ =	shalt  }
0x7f: {  	_ =	shalt  }
0x80: {  	_ =	shalt  }
0x81: {  	_ =	shalt  }
0x82: {  	_ =	shalt  }
0x83: {  	_ =	shalt  }
0x84: {  	_ =	shalt  }
0x85: {  	_ =	shalt  }
0x86: {  	_ =	shalt  }
0x87: {  	_ =	shalt  }
.Lfunc_end0:
.L_simem_size_0:
called_computation_lowered:
.L_overlay_start_0:
0x88: {  	s2 =	sld [smem:$0x3FD9]  }
0x89: {  	s3 =	sld [smem:$0x3FFE];
	_ =	sdelay $0x1  }
0x8a: {  	s1 =	srdreg.scid  }
0x8b: {  	s0 =	sand.u32 $0x1, s1  }
0x8c: {  	s14 =	sshll.u32 s0, $0xA;
	s2 =	sadd.s32 s3, s2  }
0x8d: {  	s2 =	sadd.s32 s2, s14  }
0x8e: {  	[smem:$0x3FC4] =	sst s2  }
0x8f: {  	_ = 	snop  }
0x90: {  	s2 =	sld [smem:$0x3FD0];
	_ =	sdelay $0x1  }
0x91: {  	s15 =	sld [smem:$0x3FC7]  }
0x92: {  	s5 =	simm.s32 $0xA;
	s6 =	simm.s32 $0x10;
	s4 =	sld [smem:$0x3FC6]  }
0x93: {  	[smem:s6], [sflag:s5] =	dma.local [hbm:s2], $0x1  }
0x94: {  	_ =	swait.eq [sflag:s5], $0x1  }
0x95: {  	[sflag:s5] =	ssyncset.done $0x0  }
0x96: {  	s16 =	sld [smem:$0x10];
	[sflag:s5] =	ssyncadd.s32 $0xFFFFFFFF  }
0x97: {  	s17 =	sld [smem:$0x11];
	(tm) =	ssettm $0x1  }
0x98: {  	s18 =	sld [smem:$0x3FFB];
	_ =	sdelay $0x3  }
0x99: {  	_ =	strace s18  }
0x9a: {  	s6 =	sld [smem:$0x3FFC];
	_ =	sdelay $0x3  }
0x9b: {  	_ =	strace s6  }
0x9c: {  	s6 =	sld [smem:$0x3FFD];
	_ =	sdelay $0x3  }
0x9d: {  	_ =	strace s6  }
0x9e: {  	_ =	strace $0x8FFFFFFF  }
0x9f: {  	s19 =	sld [smem:$0x3FDB];
	_ =	sdelay $0x1  }
0xa0: {  	s7 =	simm.s32 $_scs_section_size  }
0xa1: {  	s8 =	simm.s32 $_size__tile_overlayer_lowered;
	s9 =	simm.s32 $_tile_overlayer_lowered  }
0xa2: {  	s22 =	simm.s32 $0x1BFF;
	s21 =	sshll.u32 s9, $0x1;
	s6 =	sadd.s32 s7, s19  }
0xa3: {  	s10 =	simm.s32 $0x0;
	s20 =	sshll.u32 s8, $0x1;
	s8 =	sadd.s32 s21, s6  }
0xa4: {  	[timem:s10], [sflag:s22] =	dma.local [hbm:s8], s20  }
0xa5: {  	_ =	swait.ge [sflag:s22], s20  }
0xa6: {  	s7 =	ssub.s32 $0x0, s20;
	[sflag:s22] =	ssyncset.done $0x0  }
0xa7: {  	[sflag:s22] =	ssyncadd.s32 s7;
	_ =	sdelay $0x1  }
0xa8: {  	s23 =	simm.s32 $0x1B8B  }
0xa9: {  	_ =	swait.ge [sflag:s23], $0x1  }
0xaa: {  	[sflag:s23] =	ssyncset.done $0x0  }
0xab: {  	s25 =	simm.s32 $0x1B8E;
	s24 =	sld [smem:$0x3FFE];
	[sflag:s23] =	ssyncadd.s32 $0xFFFFFFFF  }
0xac: {  	s26 =	simm.s32 $execute0_lowered;
	[smem:$0x3FD2] =	sst s25  }
0xad: {  	s8 =	sshll.u32 s26, $0x1;
	_ =	strace $0x80000046;
	[dreg:$0x1] =	wrdreg $0xFFFFFFFF  }
0xae: {  	s28 =	simm.s32 $_size_execute0_lowered;
	s6 =	sadd.s32 s6, s8;
	[dreg:$0x0] =	wrdreg $0x0  }
0xaf: {  	s8 =	sshll.u32 s28, $0x1;
	[dreg:$0x2] =	wrdreg s6  }
0xb0: {  	[dreg:$0x3] =	wrdreg s8  }
0xb1: {  	[dreg:$0x4] =	wrdreg $0xC0  }
0xb2: {  	_ =	task [dreg:s10], $0x5FFFF  }
0xb3: {  	[dreg:$0x1] =	wrdreg $0xFFFFFFFF  }
0xb4: {  	[dreg:$0x0] =	wrdreg $0x60  }
0xb5: {  	[dreg:$0x2] =	wrdreg s24  }
0xb6: {  	[dreg:$0x3] =	wrdreg s15  }
0xb7: {  	[dreg:$0x4] =	wrdreg s4  }
0xb8: {  	[dreg:$0x5] =	wrdreg s16  }
0xb9: {  	[dreg:$0x6] =	wrdreg s17  }
0xba: {  	[dreg:$0x7] =	wrdreg $0x9  }
0xbb: {  	_ =	task.clear_ibuf [dreg:s10], $0x8FFFF;
	_ =	strace $0x90000046  }
0xbc: {  	s29 =	simm.s32 $0x9;
	_ =	strace $0x80000048  }
0xbd: {  	_ =	swait.ge [sflag:s29], $0x1  }
0xbe: {  	[sflag:s29] =	ssyncadd.s32 $0xFFFFFFFF  }
0xbf: {  	_ =	strace $0x90000048  }
0xc0: {  	_ =	sfence  }
0xc1: {  	s30 =	sld [smem:$0x0];
	_ =	sdelay $0x2  }
0xc2: {  	s31 =	sshll.u32 s1, $0xD;
	s1 =	sshrl.u32 s1, $0x2  }
0xc3: {  	s3 =	sand.u32 $0x4000, s31;
	s1 =	sadd.s32 s1, s30  }
0xc4: {  	s0 =	sor.u32 s3, s0;
	s1 =	sshll.u32 s1, $0x11  }
0xc5: {  	s0 =	sor.u32 s1, s0  }
0xc6: {  	s0 =	sadd.s32 $0x8F2B, s0  }
0xc7: {  	[sflag:s0] =	ssyncadd.remote.s32 $0x1  }
0xc8: {  	_ =	sfence.sel $0xFFFF  }
0xc9: {  	[dreg:$0x0] =	wrdreg $0xFFFFFFFF;
	(pc) =	sbr.abs _section_cstart, $3  }
0xca: {  	[dreg:$0x1] =	wrdreg $0xFFFFFFFF  }
0xcb: {  	_ =	task.clear_ibuf [dreg:s10], $0x2FFFF;
	_ =	strace $0x9FFFFFFF  }
0xcc: {  	(tm) =	ssettm $0x7FFFFFFF  }
0xcd: {  	_ =	shalt  }
tec
execute0_lowered:
.L_overlay_start_1:
0x0: {  	(tag) =	ssettag $0x1  }
0x1: {  	s5 =	rddreg [dreg:$0x0]  }
0x2: {  	s1 =	rddreg [dreg:$0x1]  }
0x3: {  	s2 =	rddreg [dreg:$0x2]  }
0x4: {  	s6 =	rddreg [dreg:$0x3]  }
0x5: {  	s3 =	srdreg.scid;
	s0 =	stileid.u32  }
0x6: {  	s7 =	rddreg [dreg:$0x4];
	s4 =	simm.s32 $0x0;
	s13 =	simm.s32 $0x3800  }
0x7: {  	s14 =	simm.s32 $0x7800;
	s15 =	simm.s32 $0x100;
	s16 =	simm.s32 $0xB800  }
0x8: {  	s17 =	simm.s32 $0x180;
	s18 =	simm.s32 $0xF800;
	s19 =	simm.s32 $0x200  }
0x9: {  	s20 =	simm.s32 $0x13800;
	s21 =	simm.s32 $0x2;
	s22 =	simm.s32 $0x1C80  }
0xa: {  	s23 =	simm.s32 $0x1D00;
	s24 =	simm.s32 $0x1D80;
	s8 =	sand.u32 $0x1, s3  }
0xb: {  	s9 =	sshll.u32 s0, $0x1;
	s3 =	rddreg [dreg:$0x5];
	s11 =	smul.u32 $0x32000, s0  }
0xc: {  	[smem:$0x7FF] =	sst s4;
	s9 =	sor.u32 s8, s9;
	s12 =	smul.u32 $0x19000, s8  }
0xd: {  	_ =	strace $0x80000047;
	s10 =	ssub.s32 $0x2, s8;
	s9 =	smul.u32 $0x380, s9  }
0xe: {  	s25 =	sshrl.u32 s10, $0x1;
	s28 =	sadd.s32 s11, s6;
	s30 =	sadd.s32 s11, s7  }
.Ltmp0:
0xf: {  	s11 =	simm.s32 $0x1;
	s26 =	ssub.s32 s10, s25;
	(pc) =	sbr.rel .LBB2_1-.Ltmp0, $4  }
0x10: {  	s29 =	sadd.s32 s12, s28;
	s31 =	sadd.s32 s12, s30;
	s10 =	simm.s32 $0x1C00  }
0x11: {  	s12 =	simm.s32 $0x80;
	s25 =	simm.s32 $0x1E00;
	s9 =	sadd.s32 s9, s5  }
0x12: {  	s7 =	smax.u32 s26, $0x1;
	s8 =	sadd.s32 $0x2000, s29;
	s26 =	simm.s32 $0x0  }
0x13: {  	s5 =	sadd.s32 $0x800, s9;
	s6 =	sadd.s32 $0x7800, s9;
	s9 =	sadd.s32 $0x2000, s31  }
.LBB2_7:
0x14: {  	_ =	swait.ge [sflag:s21], $0x4000  }
0x15: {  	[sflag:s21] =	ssyncset.done $0x0  }
0x16: {  	[sflag:s21] =	ssyncadd.s32 $0xFFFFC000  }
0x17: {  	_ =	swait.ge [sflag:s21], $0x4000  }
0x18: {  	[sflag:s21] =	ssyncset.done $0x0  }
0x19: {  	[sflag:s21] =	ssyncadd.s32 $0xFFFFC000  }
0x1a: {  	_ =	swait.ge [sflag:s21], $0x4000  }
0x1b: {  	[sflag:s21] =	ssyncset.done $0x0  }
0x1c: {  	[sflag:s21] =	ssyncadd.s32 $0xFFFFC000  }
0x1d: {  	_ =	swait.ge [sflag:s21], $0x4000  }
0x1e: {  	[sflag:s21] =	ssyncset.done $0x0  }
0x1f: {  	[sflag:s21] =	ssyncadd.s32 $0xFFFFC000  }
.LBB2_9:
0x20: {  	s26 =	sadd.s32 $0x1, s26  }
0x21: {  	p0 =	sne.s32 s26, s7  }
.Ltmp1:
0x22: {  	_ = 	snop;
	(pc) =	sbr.rel @!p0 .LBB2_10-.Ltmp1, $1  }
0x23: {  	_ =	sdelay $0x3  }
.LBB2_1:
0x24: {  	[tilespmem:s4], [sflag:$0x1] =	stream.linear.gather [hbm4b:s5+s4], $0x1900, $0x38;
	[tilespmem:$0x17800] =	vst v63  }
0x25: {  	_ = 	snop  }
0x26: {  	[tilespmem:s10], [sflag:$0x1] =	stream.linear.gather [hbm4b:s6+s4], $0x1900, $0x38;
	[tilespmem:$0x17800] =	vst v63  }
0x27: {  	_ =	swait.ge [sflag:s11], $0x1900  }
0x28: {  	[sflag:s11] =	ssyncset.done $0x0  }
0x29: {  	[sflag:s11] =	ssyncadd.s32 $0xFFFFE700  }
0x2a: {  	_ =	swait.ge [sflag:s11], $0x1900  }
0x2b: {  	[sflag:s11] =	ssyncset.done $0x0  }
0x2c: {  	[sflag:s11] =	ssyncadd.s32 $0xFFFFE700  }
0x2d: {  	[tilespmem:s13], [sflag:$0x1] =	stream.indirect.gather [hbm4b:s1+s12], $0x80, s4, s12, $0xb8;
	[tilespmem:$0x17800] =	vst v63  }
0x2e: {  	_ = 	snop  }
0x2f: {  	[tilespmem:s14], [sflag:$0x1] =	stream.indirect.gather [hbm4b:s1+s12], $0x80, s12, s12, $0xb8;
	[tilespmem:$0x17800] =	vst v63  }
0x30: {  	_ = 	snop  }
0x31: {  	[tilespmem:s16], [sflag:$0x1] =	stream.indirect.gather [hbm4b:s1+s12], $0x80, s15, s12, $0xb8;
	[tilespmem:$0x17800] =	vst v63  }
0x32: {  	_ = 	snop  }
0x33: {  	[tilespmem:s18], [sflag:$0x1] =	stream.indirect.gather [hbm4b:s1+s12], $0x80, s17, s12, $0xb8;
	[tilespmem:$0x17800] =	vst v63  }
0x34: {  	s28 =	smov.u32 s8;
	s29 =	simm.s32 $0x0  }
0x35: {  	[tilespmem:s20], [sflag:$0x1] =	stream.indirect.gather [hbm4b:s1+s12], $0x80, s19, s12, $0xb8;
	[tilespmem:$0x17800] =	vst v63  }
.LBB2_2:
0x36: {  	_ =	swait.ge [sflag:s11], $0x4000  }
0x37: {  	[sflag:s11] =	ssyncset.done $0x0  }
0x38: {  	s30 =	sadd.s32 $0xFFFFE000, s28;
	[sflag:s11] =	ssyncadd.s32 $0xFFFFC000  }
0x39: {  	[hbm4b:s30+s4] =	stream.linear.scatter [tilespmem:s13], [sflag:$0x2], $0x4000, $0x38;
	[tilespmem:$0x17800] =	vst v63  }
0x3a: {  	_ =	swait.ge [sflag:s11], $0x4000  }
0x3b: {  	[sflag:s11] =	ssyncset.done $0x0  }
0x3c: {  	s31 =	sadd.s32 $0xFFFFE800, s28;
	[sflag:s11] =	ssyncadd.s32 $0xFFFFC000  }
0x3d: {  	[hbm4b:s31+s4] =	stream.linear.scatter [tilespmem:s14], [sflag:$0x2], $0x4000, $0x38;
	[tilespmem:$0x17800] =	vst v63  }
0x3e: {  	_ =	swait.ge [sflag:s11], $0x4000  }
0x3f: {  	[sflag:s11] =	ssyncset.done $0x0  }
0x40: {  	s31 =	sadd.s32 $0xFFFFF000, s28;
	[sflag:s11] =	ssyncadd.s32 $0xFFFFC000  }
0x41: {  	[hbm4b:s31+s4] =	stream.linear.scatter [tilespmem:s16], [sflag:$0x2], $0x4000, $0x38;
	[tilespmem:$0x17800] =	vst v63  }
0x42: {  	_ =	swait.ge [sflag:s11], $0x4000  }
0x43: {  	[sflag:s11] =	ssyncset.done $0x0  }
0x44: {  	s31 =	sadd.s32 $0xFFFFF800, s28;
	[sflag:s11] =	ssyncadd.s32 $0xFFFFC000  }
0x45: {  	[hbm4b:s31+s4] =	stream.linear.scatter [tilespmem:s18], [sflag:$0x2], $0x4000, $0x38;
	[tilespmem:$0x17800] =	vst v63  }
0x46: {  	_ =	swait.ge [sflag:s11], $0x4000  }
0x47: {  	p0 =	sne.s32 s29, $0x5A00;
	[sflag:s11] =	ssyncset.done $0x0  }
.Ltmp2:
0x48: {  	[sflag:s11] =	ssyncadd.s32 $0xFFFFC000;
	(pc) =	sbr.rel @!p0 .LBB2_3-.Ltmp2, $4  }
0x49: {  	[hbm4b:s28+s4] =	stream.linear.scatter [tilespmem:s20], [sflag:$0x2], $0x4000, $0x38;
	[tilespmem:$0x17800] =	vst v63  }
0x4a: {  	_ =	swait.ge [sflag:s21], $0x4000  }
0x4b: {  	[sflag:s21] =	ssyncset.done $0x0  }
0x4c: {  	[sflag:s21] =	ssyncadd.s32 $0xFFFFC000  }
0x4d: {  	s30 =	sshra.s32 s29, $0x2  }
0x4e: {  	s31 =	sadd.s32 $0x280, s30  }
0x4f: {  	[tilespmem:s13], [sflag:$0x1] =	stream.indirect.gather [hbm4b:s1+s12], $0x80, s31, s12, $0xb8;
	[tilespmem:$0x17800] =	vst v63  }
0x50: {  	_ =	swait.ge [sflag:s21], $0x4000  }
0x51: {  	[sflag:s21] =	ssyncset.done $0x0  }
0x52: {  	s31 =	sadd.s32 $0x300, s30;
	[sflag:s21] =	ssyncadd.s32 $0xFFFFC000  }
0x53: {  	[tilespmem:s14], [sflag:$0x1] =	stream.indirect.gather [hbm4b:s1+s12], $0x80, s31, s12, $0xb8;
	[tilespmem:$0x17800] =	vst v63  }
0x54: {  	_ =	swait.ge [sflag:s21], $0x4000  }
0x55: {  	[sflag:s21] =	ssyncset.done $0x0  }
0x56: {  	s31 =	sadd.s32 $0x380, s30;
	[sflag:s21] =	ssyncadd.s32 $0xFFFFC000  }
0x57: {  	[tilespmem:s16], [sflag:$0x1] =	stream.indirect.gather [hbm4b:s1+s12], $0x80, s31, s12, $0xb8;
	[tilespmem:$0x17800] =	vst v63  }
0x58: {  	_ =	swait.ge [sflag:s21], $0x4000  }
0x59: {  	s29 =	sadd.s32 $0xA00, s29;
	[sflag:s21] =	ssyncset.done $0x0  }
0x5a: {  	p0 =	sne.s32 s29, $0x6400;
	s31 =	sadd.s32 $0x400, s30;
	[sflag:s21] =	ssyncadd.s32 $0xFFFFC000  }
0x5b: {  	[tilespmem:s18], [sflag:$0x1] =	stream.indirect.gather [hbm4b:s1+s12], $0x80, s31, s12, $0xb8;
	[tilespmem:$0x17800] =	vst v63  }
.Ltmp3:
0x5c: {  	_ = 	snop;
	(pc) =	sbr.rel @p0 .LBB2_2-.Ltmp3, $4  }
.Ltmp4:
0x5d: {  	_ =	swait.ge [sflag:s21], $0x4000;
	(pc) =	sbr.rel @!p0 .LBB2_5-.Ltmp4, $4  }
0x5e: {  	[sflag:s21] =	ssyncset.done $0x0  }
0x5f: {  	s28 =	sadd.s32 $0x2800, s28;
	s30 =	sadd.s32 $0x480, s30;
	[sflag:s21] =	ssyncadd.s32 $0xFFFFC000  }
0x60: {  	[tilespmem:s20], [sflag:$0x1] =	stream.indirect.gather [hbm4b:s1+s12], $0x80, s30, s12, $0xb8;
	[tilespmem:$0x17800] =	vst v63  }
0x61: {  	_ = 	snop  }
.LBB2_3:
0x62: {  	[tilespmem:s13], [sflag:$0x1] =	stream.indirect.gather [hbm4b:s2+s12], $0x80, s10, s12, $0xb8;
	[tilespmem:$0x17800] =	vst v63  }
0x63: {  	_ =	swait.ge [sflag:s21], $0x4000  }
0x64: {  	[sflag:s21] =	ssyncset.done $0x0  }
0x65: {  	[sflag:s21] =	ssyncadd.s32 $0xFFFFC000  }
0x66: {  	[tilespmem:s14], [sflag:$0x1] =	stream.indirect.gather [hbm4b:s2+s12], $0x80, s22, s12, $0xb8;
	[tilespmem:$0x17800] =	vst v63  }
0x67: {  	_ =	swait.ge [sflag:s21], $0x4000  }
0x68: {  	[sflag:s21] =	ssyncset.done $0x0  }
0x69: {  	[sflag:s21] =	ssyncadd.s32 $0xFFFFC000  }
0x6a: {  	[tilespmem:s16], [sflag:$0x1] =	stream.indirect.gather [hbm4b:s2+s12], $0x80, s23, s12, $0xb8;
	[tilespmem:$0x17800] =	vst v63  }
0x6b: {  	_ =	swait.ge [sflag:s21], $0x4000  }
0x6c: {  	[sflag:s21] =	ssyncset.done $0x0  }
0x6d: {  	[sflag:s21] =	ssyncadd.s32 $0xFFFFC000  }
0x6e: {  	[tilespmem:s18], [sflag:$0x1] =	stream.indirect.gather [hbm4b:s2+s12], $0x80, s24, s12, $0xb8;
	[tilespmem:$0x17800] =	vst v63  }
0x6f: {  	_ =	swait.ge [sflag:s21], $0x4000  }
0x70: {  	[sflag:s21] =	ssyncset.done $0x0  }
0x71: {  	[sflag:s21] =	ssyncadd.s32 $0xFFFFC000  }
0x72: {  	[tilespmem:s20], [sflag:$0x1] =	stream.indirect.gather [hbm4b:s2+s12], $0x80, s25, s12, $0xb8;
	[tilespmem:$0x17800] =	vst v63  }
.LBB2_5:
0x73: {  	s28 =	simm.s32 $0x0;
	s29 =	smov.u32 s9  }
.LBB2_6:
0x74: {  	_ =	swait.ge [sflag:s11], $0x4000  }
0x75: {  	[sflag:s11] =	ssyncset.done $0x0  }
0x76: {  	s30 =	sadd.s32 $0xFFFFE000, s29;
	[sflag:s11] =	ssyncadd.s32 $0xFFFFC000  }
0x77: {  	[hbm4b:s30+s4] =	stream.linear.scatter [tilespmem:s13], [sflag:$0x2], $0x4000, $0x38;
	[tilespmem:$0x17800] =	vst v63  }
0x78: {  	_ =	swait.ge [sflag:s11], $0x4000  }
0x79: {  	[sflag:s11] =	ssyncset.done $0x0  }
0x7a: {  	s31 =	sadd.s32 $0xFFFFE800, s29;
	[sflag:s11] =	ssyncadd.s32 $0xFFFFC000  }
0x7b: {  	[hbm4b:s31+s4] =	stream.linear.scatter [tilespmem:s14], [sflag:$0x2], $0x4000, $0x38;
	[tilespmem:$0x17800] =	vst v63  }
0x7c: {  	_ =	swait.ge [sflag:s11], $0x4000  }
0x7d: {  	[sflag:s11] =	ssyncset.done $0x0  }
0x7e: {  	s31 =	sadd.s32 $0xFFFFF000, s29;
	[sflag:s11] =	ssyncadd.s32 $0xFFFFC000  }
0x7f: {  	[hbm4b:s31+s4] =	stream.linear.scatter [tilespmem:s16], [sflag:$0x2], $0x4000, $0x38;
	[tilespmem:$0x17800] =	vst v63  }
0x80: {  	_ =	swait.ge [sflag:s11], $0x4000  }
0x81: {  	[sflag:s11] =	ssyncset.done $0x0  }
0x82: {  	s31 =	sadd.s32 $0xFFFFF800, s29;
	[sflag:s11] =	ssyncadd.s32 $0xFFFFC000  }
0x83: {  	[hbm4b:s31+s4] =	stream.linear.scatter [tilespmem:s18], [sflag:$0x2], $0x4000, $0x38;
	[tilespmem:$0x17800] =	vst v63  }
0x84: {  	_ =	swait.ge [sflag:s11], $0x4000  }
0x85: {  	p0 =	sne.s32 s28, $0x5A00;
	[sflag:s11] =	ssyncset.done $0x0  }
.Ltmp5:
0x86: {  	[sflag:s11] =	ssyncadd.s32 $0xFFFFC000;
	(pc) =	sbr.rel @!p0 .LBB2_7-.Ltmp5, $4  }
0x87: {  	[hbm4b:s29+s4] =	stream.linear.scatter [tilespmem:s20], [sflag:$0x2], $0x4000, $0x38;
	[tilespmem:$0x17800] =	vst v63  }
0x88: {  	_ =	swait.ge [sflag:s21], $0x4000  }
0x89: {  	[sflag:s21] =	ssyncset.done $0x0  }
0x8a: {  	[sflag:s21] =	ssyncadd.s32 $0xFFFFC000  }
0x8b: {  	s30 =	sshra.s32 s28, $0x2  }
0x8c: {  	s31 =	sadd.s32 $0x1E80, s30  }
0x8d: {  	[tilespmem:s13], [sflag:$0x1] =	stream.indirect.gather [hbm4b:s2+s12], $0x80, s31, s12, $0xb8;
	[tilespmem:$0x17800] =	vst v63  }
0x8e: {  	_ =	swait.ge [sflag:s21], $0x4000  }
0x8f: {  	[sflag:s21] =	ssyncset.done $0x0  }
0x90: {  	s31 =	sadd.s32 $0x1F00, s30;
	[sflag:s21] =	ssyncadd.s32 $0xFFFFC000  }
0x91: {  	[tilespmem:s14], [sflag:$0x1] =	stream.indirect.gather [hbm4b:s2+s12], $0x80, s31, s12, $0xb8;
	[tilespmem:$0x17800] =	vst v63  }
0x92: {  	_ =	swait.ge [sflag:s21], $0x4000  }
0x93: {  	[sflag:s21] =	ssyncset.done $0x0  }
0x94: {  	s31 =	sadd.s32 $0x1F80, s30;
	[sflag:s21] =	ssyncadd.s32 $0xFFFFC000  }
0x95: {  	[tilespmem:s16], [sflag:$0x1] =	stream.indirect.gather [hbm4b:s2+s12], $0x80, s31, s12, $0xb8;
	[tilespmem:$0x17800] =	vst v63  }
0x96: {  	_ =	swait.ge [sflag:s21], $0x4000  }
0x97: {  	s28 =	sadd.s32 $0xA00, s28;
	[sflag:s21] =	ssyncset.done $0x0  }
0x98: {  	p0 =	sne.s32 s28, $0x6400;
	s31 =	sadd.s32 $0x2000, s30;
	[sflag:s21] =	ssyncadd.s32 $0xFFFFC000  }
0x99: {  	[tilespmem:s18], [sflag:$0x1] =	stream.indirect.gather [hbm4b:s2+s12], $0x80, s31, s12, $0xb8;
	[tilespmem:$0x17800] =	vst v63  }
.Ltmp6:
0x9a: {  	_ = 	snop;
	(pc) =	sbr.rel @p0 .LBB2_6-.Ltmp6, $4  }
.Ltmp7:
0x9b: {  	_ =	swait.ge [sflag:s21], $0x4000;
	(pc) =	sbr.rel @!p0 .LBB2_9-.Ltmp7, $4  }
0x9c: {  	[sflag:s21] =	ssyncset.done $0x0  }
0x9d: {  	s29 =	sadd.s32 $0x2800, s29;
	s30 =	sadd.s32 $0x2080, s30;
	[sflag:s21] =	ssyncadd.s32 $0xFFFFC000  }
0x9e: {  	[tilespmem:s20], [sflag:$0x1] =	stream.indirect.gather [hbm4b:s2+s12], $0x80, s30, s12, $0xb8;
	[tilespmem:$0x17800] =	vst v63  }
0x9f: {  	_ = 	snop  }
.LBB2_10:
0xa0: {  	_ =	sfence.sel $0x180000  }
0xa1: {  	[bflag:$0x0] =	sbarrier.arrive $0xFFFF  }
0xa2: {  	p0 =	sne.s32 s0, $0x0;
	_ =	strace $0x90000047  }
0xa3: {  	s0 =	sadd.s32 @!p0 $0x100000, s3;
	[bflag:$0x2] =	sbarrier.arrive $0xFFFF  }
0xa4: {  	[sflag:s0] =	ssyncadd.tile.s32 @!p0 $0x1;
	_ =	shalt  }
.Lfunc_end2:
_tile_overlayer_lowered:
.L_overlay_start_2:
0xa5: {  	(tag) =	ssettag $0x2  }
0xa6: {  	s0 =	rddreg [dreg:$0x0];
	s2 =	stileid.u32  }
0xa7: {  	s1 =	rddreg [dreg:$0x1];
	p0 =	sne.s32 s2, $0x0  }
0xa8: {  	s3 =	rddreg [dreg:$0x2];
	[bflag:$0x3] =	sbarrier.arrive $0xFFFF;
	s2 =	simm.s32 @!p0 $0x1C03  }
0xa9: {  	[timem:s3], [sflag:s2] =	dma.local @!p0 [hbm:s0], s1  }
0xaa: {  	s0 =	simm.s32 @!p0 $0x3  }
0xab: {  	_ =	swait.ge @!p0 [sflag:s0], s1  }
0xac: {  	s1 =	ssub.s32 @!p0 $0x0, s1;
	[sflag:s0] =	ssyncset.done @!p0 $0x0  }
0xad: {  	[sflag:s0] =	ssyncadd.s32 @!p0 s1  }
0xae: {  	[bflag:$0x3] =	sbarrier.arrive $0xFFFF  }
0xaf: {  	_ =	shalt  }

</sc_bundles>
